<compile_context>
chip_gen: v7x
topology: tpu7x:2x2x1
jax: 0.10.2.dev20260603
libtpu: 0.0.44.dev20260713+nightly
codegen_flags: <defaults>
</compile_context>

<pallas_src>
import functools

import jax
import jax.numpy as jnp
from jax import lax
from jax.experimental import pallas as pl
from jax.experimental.pallas import tpu as pltpu
from jax.experimental.pallas import tpu_sc as plsc

N = 10000
E = 160000
D = 256
H = 128
TILES = 16
B = 128
G = 1
NBLK = G * -(-E // (TILES * B * G))
EPT = NBLK * B
E_PAD = TILES * EPT
GB = G * B
ACC_ROWS = 10240
ROWS_PT = ACC_ROWS // TILES
LAST_ROWS = N - (TILES - 1) * ROWS_PT


def _sc_body(x0_hbm, x1_hbm, src_hbm, dst_hbm,
             s0_hbm, s1_hbm, deg32_hbm,
             src_v, dst_v, buf, deg_local,
             acc,
             sem_g):
    c = lax.axis_index("c")
    s = lax.axis_index("s")

    pltpu.sync_copy(src_hbm.at[s], src_v)
    pltpu.sync_copy(dst_hbm.at[s], dst_v)

    r0 = s * ROWS_PT

    def zero_deg(i, carry):
        deg_local[pl.ds(i * 16, 16)] = jnp.zeros((16,), jnp.float32)
        return carry

    lax.fori_loop(0, ACC_ROWS // 16, zero_deg, 0)

    deg_lo = c * (NBLK // 2)
    deg_hi = NBLK // 2 + c * (NBLK - NBLK // 2)

    def init_acc(x_hbm):
        @pl.when(s < TILES - 1)
        def _():
            pltpu.sync_copy(x_hbm.at[pl.ds(r0, ROWS_PT)],
                            acc.at[pl.ds(r0, ROWS_PT)])

        @pl.when(s == TILES - 1)
        def _():
            pltpu.sync_copy(x_hbm.at[pl.ds((TILES - 1) * ROWS_PT, LAST_ROWS)],
                            acc.at[pl.ds((TILES - 1) * ROWS_PT, LAST_ROWS)])

    @pl.when(c == 0)
    def _():
        init_acc(x0_hbm)

    @pl.when(c == 1)
    def _():
        init_acc(x1_hbm)

    plsc.subcore_barrier()

    def edge_loop(x_hbm):
        def grp(g, carry):
            gather = pltpu.make_async_copy(
                x_hbm.at[src_v.at[g]], buf, sem_g)
            gather.start()

            @pl.when((g >= deg_lo) & (g < deg_hi))
            def _():
                ones16 = jnp.ones((16,), jnp.float32)
                for k in range(GB // 16):
                    idx = dst_v[g, pl.ds(k * 16, 16)]
                    plsc.addupdate_scatter(deg_local, [idx], ones16)

            gather.wait()
            pltpu.sync_copy(buf, acc.at[dst_v.at[g]], add=True)
            return carry

        lax.fori_loop(0, NBLK // G, grp, 0)

    @pl.when(c == 0)
    def _():
        edge_loop(x0_hbm)

    @pl.when(c == 1)
    def _():
        edge_loop(x1_hbm)

    plsc.subcore_barrier()

    pltpu.sync_copy(deg_local, deg32_hbm.at[c * TILES + s])

    @pl.when(c == 0)
    def _():
        pltpu.sync_copy(acc.at[pl.ds(r0, ROWS_PT)], s0_hbm.at[pl.ds(r0, ROWS_PT)])

    @pl.when(c == 1)
    def _():
        pltpu.sync_copy(acc.at[pl.ds(r0, ROWS_PT)], s1_hbm.at[pl.ds(r0, ROWS_PT)])


_sc_agg = functools.partial(
    pl.kernel,
    out_type=(
        jax.ShapeDtypeStruct((ACC_ROWS, H), jnp.float32),
        jax.ShapeDtypeStruct((ACC_ROWS, H), jnp.float32),
        jax.ShapeDtypeStruct((2 * TILES, ACC_ROWS), jnp.float32),
    ),
    mesh=plsc.VectorSubcoreMesh(core_axis_name="c", subcore_axis_name="s"),
    compiler_params=pltpu.CompilerParams(use_tc_tiling_on_sc=False,
                                         needs_layout_passes=False),
    scratch_types=[
        pltpu.VMEM((NBLK // G, GB), jnp.int32),
        pltpu.VMEM((NBLK // G, GB), jnp.int32),
        pltpu.VMEM((GB, H), jnp.float32),
        pltpu.VMEM((ACC_ROWS,), jnp.float32),
        pltpu.VMEM_SHARED((ACC_ROWS, H), jnp.float32),
        pltpu.SemaphoreType.DMA,
    ],
)(_sc_body)


M_BLK = 1000


def _tc_body(s0_ref, s1_ref, deg_ref, w0_ref, w1_ref, b_ref, out_ref):
    acc = jnp.dot(s0_ref[...], w0_ref[...], preferred_element_type=jnp.float32)
    acc = acc + jnp.dot(s1_ref[...], w1_ref[...], preferred_element_type=jnp.float32)
    deg = jnp.maximum(jnp.sum(deg_ref[...], axis=1, keepdims=True), 1.0)
    out_ref[...] = acc / deg + b_ref[...]


_tc_linear = pl.pallas_call(
    _tc_body,
    grid=(N // M_BLK,),
    in_specs=[
        pl.BlockSpec((M_BLK, H), lambda i: (i, 0)),
        pl.BlockSpec((M_BLK, H), lambda i: (i, 0)),
        pl.BlockSpec((M_BLK, 2 * TILES), lambda i: (i, 0)),
        pl.BlockSpec((H, D), lambda i: (0, 0)),
        pl.BlockSpec((H, D), lambda i: (0, 0)),
        pl.BlockSpec((1, D), lambda i: (0, 0)),
    ],
    out_specs=pl.BlockSpec((M_BLK, D), lambda i: (i, 0)),
    out_shape=jax.ShapeDtypeStruct((N, D), jnp.float32),
)


def kernel(x, edge_index, W, b):
    src = edge_index[0]
    dst = edge_index[1]
    pad = E_PAD - E
    srcp = jnp.concatenate([src, jnp.zeros((pad,), jnp.int32)]).reshape(
        TILES, NBLK // G, GB)
    dstp = jnp.concatenate([dst, jnp.full((pad,), N, jnp.int32)]).reshape(
        TILES, NBLK // G, GB)
    s0, s1, deg32 = _sc_agg(x[:, :H], x[:, H:], srcp, dstp)
    w0t = W[:, :H].T
    w1t = W[:, H:].T
    return _tc_linear(s0, s1, deg32.T, w0t, w1t, b.reshape(1, D))

# --- scband reference (transcript-rebuilt; emitter-appended) ---
"""Pipeline reference for scband-mean-aggregator-22548578304242 (READ-ONLY COPY).

The authoritative reference and input builder live on the scoring server;
editing this copy changes nothing except your own understanding.
"""

import jax, jax.numpy as jnp
import numpy as np

N = 10000
E = 160000
D_IN = 256
D_OUT = 256


def setup_inputs(seed: int = 0) -> dict:
    key = jax.random.key(seed)
    k1, k2, k3, k4 = jax.random.split(key, 4)
    x = jax.random.normal(k1, (N, D_IN), dtype=jnp.float32)
    edge_index = jax.random.randint(k2, (2, E), 0, N, dtype=jnp.int32)
    # xavier_uniform with gain = calculate_gain('relu') = sqrt(2)
    gain = float(np.sqrt(2.0))
    a = gain * float(np.sqrt(6.0 / (D_IN + D_OUT)))
    W = jax.random.uniform(k3, (D_OUT, D_IN), dtype=jnp.float32, minval=-a, maxval=a)
    bb = 1.0 / float(np.sqrt(D_IN))
    b = jax.random.uniform(k4, (D_OUT,), dtype=jnp.float32, minval=-bb, maxval=bb)
    return {"x": x, "edge_index": edge_index, "W": W, "b": b}


def reference(x, edge_index, W, b):
    # DGL mean-aggregator semantics: message m = h_src; mailbox sum per dst node.
    src = edge_index[0]
    dst = edge_index[1]
    msg = jnp.take(x, src, axis=0)                                   # gather  [E, D]
    nei_sum = jax.ops.segment_sum(msg, dst, num_segments=N)          # scatter-add [N, D]
    deg = jax.ops.segment_sum(jnp.ones((E,), jnp.float32), dst, num_segments=N)
    deg = jnp.maximum(deg, 1.0)  # guard zero in-degree (DGL only reduces nodes with mail)
    # concat: sum over [nei..., h] along axis 1 then divide by in-degree
    concatenate = (nei_sum + x) / deg[:, None]
    h = concatenate @ W.T + b
    # activation is None
    # norm computed in original forward but unused (dead code, kept for faithfulness)
    norm = jnp.power(jnp.sum(jnp.power(h, 2), axis=1, keepdims=True), -0.5)
    norm = jnp.where(jnp.isinf(norm), 0.0, norm)
    return h

if __name__ == "__main__":
    import jax
    _d = setup_inputs()
    print(jax.jit(kernel)(*tuple(_d.values())))

</pallas_src>

<mosaic_0001>
#map = affine_map<(d0, d1) -> (0, 0)>
#map1 = affine_map<(d0, d1) -> (0, 0, 0)>
module attributes {stable_mosaic.version = 14 : i64} {
  func.func @_sc_body(%arg0: i32, %arg1: i32, %arg2: memref<10000x128xf32, #tpu.memory_space<hbm>>, %arg3: memref<10000x128xf32, #tpu.memory_space<hbm>>, %arg4: memref<16x79x128xi32, #tpu.memory_space<hbm>>, %arg5: memref<16x79x128xi32, #tpu.memory_space<hbm>>, %arg6: memref<10240x128xf32, #tpu.memory_space<hbm>>, %arg7: memref<10240x128xf32, #tpu.memory_space<hbm>>, %arg8: memref<32x10240xf32, #tpu.memory_space<hbm>>, %arg9: memref<79x128xi32, #tpu.memory_space<vmem>>, %arg10: memref<79x128xi32, #tpu.memory_space<vmem>>, %arg11: memref<128x128xf32, #tpu.memory_space<vmem>>, %arg12: memref<10240xf32, #tpu.memory_space<vmem>>, %arg13: memref<10240x128xf32, #tpu.memory_space<vmem_shared>>, %arg14: memref<!tpu.dma_semaphore, #tpu.memory_space<semaphore_mem>>) attributes {dimension_semantics = [#tpu.dimension_semantics<core_parallel>, #tpu.dimension_semantics<subcore_parallel>], iteration_bounds = array<i64: 2, 16>, scalar_prefetch = 0 : i64, scratch_operands = 6 : i64, tpu.core_type = #tpu.core_type<sc_vector_subcore>, window_params = [{transform_indices = #map}, {transform_indices = #map}, {transform_indices = #map1}, {transform_indices = #map1}, {transform_indices = #map}, {transform_indices = #map}, {transform_indices = #map}]} {
    "tpu.region"() ({
      %run_scoped3A = tpu.sem_alloc : memref<!tpu.dma_semaphore, #tpu.memory_space<semaphore_mem>>
      %dma_start3A = arith.constant 0 : i32
      %dma_start3A_42 = arith.constant 0 : i32
      %dma_start3A_43 = tpu.memref_slice %arg4[%arg1, %dma_start3A, %dma_start3A_42] : memref<16x79x128xi32, #tpu.memory_space<hbm>> -> memref<1x79x128xi32, #tpu.memory_space<hbm>>
      %dma_start3A_44 = tpu.memref_squeeze %dma_start3A_43 : memref<1x79x128xi32, #tpu.memory_space<hbm>> -> memref<79x128xi32, #tpu.memory_space<hbm>>
      %dma_start3A_45 = arith.constant 0 : i32
      %dma_start3A_46 = arith.constant 0 : i32
      %dma_start3A_47 = tpu.memref_slice %arg4[%arg1, %dma_start3A_45, %dma_start3A_46] : memref<16x79x128xi32, #tpu.memory_space<hbm>> -> memref<1x79x128xi32, #tpu.memory_space<hbm>>
      %dma_start3A_48 = tpu.memref_squeeze %dma_start3A_47 : memref<1x79x128xi32, #tpu.memory_space<hbm>> -> memref<79x128xi32, #tpu.memory_space<hbm>>
      tpu.enqueue_dma source(%dma_start3A_48 : memref<79x128xi32, #tpu.memory_space<hbm>>) target(%arg9 : memref<79x128xi32, #tpu.memory_space<vmem>>) target_semaphore(%run_scoped3A : memref<!tpu.dma_semaphore, #tpu.memory_space<semaphore_mem>>)
      %dma_wait3A = arith.constant 0 : i32
      %dma_wait3A_49 = arith.constant 0 : i32
      %dma_wait3A_50 = tpu.memref_slice %arg4[%arg1, %dma_wait3A, %dma_wait3A_49] : memref<16x79x128xi32, #tpu.memory_space<hbm>> -> memref<1x79x128xi32, #tpu.memory_space<hbm>>
      %dma_wait3A_51 = tpu.memref_squeeze %dma_wait3A_50 : memref<1x79x128xi32, #tpu.memory_space<hbm>> -> memref<79x128xi32, #tpu.memory_space<hbm>>
      %dma_wait3A_52 = arith.constant 0 : i32
      %dma_wait3A_53 = arith.constant 0 : i32
      %dma_wait3A_54 = tpu.memref_slice %arg4[%arg1, %dma_wait3A_52, %dma_wait3A_53] : memref<16x79x128xi32, #tpu.memory_space<hbm>> -> memref<1x79x128xi32, #tpu.memory_space<hbm>>
      %dma_wait3A_55 = tpu.memref_squeeze %dma_wait3A_54 : memref<1x79x128xi32, #tpu.memory_space<hbm>> -> memref<79x128xi32, #tpu.memory_space<hbm>>
      tpu.wait_dma2 semaphore(%run_scoped3A : memref<!tpu.dma_semaphore, #tpu.memory_space<semaphore_mem>>) src(%dma_wait3A_55 : memref<79x128xi32, #tpu.memory_space<hbm>>) dst(%arg9 : memref<79x128xi32, #tpu.memory_space<vmem>>)
      tpu.yield
    }) : () -> ()
    "tpu.region"() ({
      %run_scoped3A = tpu.sem_alloc : memref<!tpu.dma_semaphore, #tpu.memory_space<semaphore_mem>>
      %dma_start3A = arith.constant 0 : i32
      %dma_start3A_42 = arith.constant 0 : i32
      %dma_start3A_43 = tpu.memref_slice %arg5[%arg1, %dma_start3A, %dma_start3A_42] : memref<16x79x128xi32, #tpu.memory_space<hbm>> -> memref<1x79x128xi32, #tpu.memory_space<hbm>>
      %dma_start3A_44 = tpu.memref_squeeze %dma_start3A_43 : memref<1x79x128xi32, #tpu.memory_space<hbm>> -> memref<79x128xi32, #tpu.memory_space<hbm>>
      %dma_start3A_45 = arith.constant 0 : i32
      %dma_start3A_46 = arith.constant 0 : i32
      %dma_start3A_47 = tpu.memref_slice %arg5[%arg1, %dma_start3A_45, %dma_start3A_46] : memref<16x79x128xi32, #tpu.memory_space<hbm>> -> memref<1x79x128xi32, #tpu.memory_space<hbm>>
      %dma_start3A_48 = tpu.memref_squeeze %dma_start3A_47 : memref<1x79x128xi32, #tpu.memory_space<hbm>> -> memref<79x128xi32, #tpu.memory_space<hbm>>
      tpu.enqueue_dma source(%dma_start3A_48 : memref<79x128xi32, #tpu.memory_space<hbm>>) target(%arg10 : memref<79x128xi32, #tpu.memory_space<vmem>>) target_semaphore(%run_scoped3A : memref<!tpu.dma_semaphore, #tpu.memory_space<semaphore_mem>>)
      %dma_wait3A = arith.constant 0 : i32
      %dma_wait3A_49 = arith.constant 0 : i32
      %dma_wait3A_50 = tpu.memref_slice %arg5[%arg1, %dma_wait3A, %dma_wait3A_49] : memref<16x79x128xi32, #tpu.memory_space<hbm>> -> memref<1x79x128xi32, #tpu.memory_space<hbm>>
      %dma_wait3A_51 = tpu.memref_squeeze %dma_wait3A_50 : memref<1x79x128xi32, #tpu.memory_space<hbm>> -> memref<79x128xi32, #tpu.memory_space<hbm>>
      %dma_wait3A_52 = arith.constant 0 : i32
      %dma_wait3A_53 = arith.constant 0 : i32
      %dma_wait3A_54 = tpu.memref_slice %arg5[%arg1, %dma_wait3A_52, %dma_wait3A_53] : memref<16x79x128xi32, #tpu.memory_space<hbm>> -> memref<1x79x128xi32, #tpu.memory_space<hbm>>
      %dma_wait3A_55 = tpu.memref_squeeze %dma_wait3A_54 : memref<1x79x128xi32, #tpu.memory_space<hbm>> -> memref<79x128xi32, #tpu.memory_space<hbm>>
      tpu.wait_dma2 semaphore(%run_scoped3A : memref<!tpu.dma_semaphore, #tpu.memory_space<semaphore_mem>>) src(%dma_wait3A_55 : memref<79x128xi32, #tpu.memory_space<hbm>>) dst(%arg10 : memref<79x128xi32, #tpu.memory_space<vmem>>)
      tpu.yield
    }) : () -> ()
    %mul3A = arith.constant 640 : i32
    %mul3A_0 = arith.muli %arg1, %mul3A : i32
    %scan3A = arith.constant 0 : i32
    %scan3A_1 = arith.constant 0 : i32
    %scan3A_2 = arith.constant 640 : i32
    %scan3A_3 = arith.addi %scan3A_1, %scan3A_2 : i32
    %scan3A_4 = arith.constant 1 : i32
    scf.for %scan3A_42 = %scan3A_1 to %scan3A_3 step %scan3A_4  : i32 {
      %broadcast_in_dim3A = arith.constant 0.000000e+00 : f32
      %broadcast_in_dim3A_43 = vector.broadcast %broadcast_in_dim3A : f32 to vector<16xf32>
      %mul3A_44 = arith.constant 16 : i32
      %mul3A_45 = arith.muli %scan3A_42, %mul3A_44 : i32
      %swap3A = arith.index_cast %mul3A_45 : i32 to index
      %swap3A_46 = tpu.vector_load %arg12[%swap3A] {strides = array<i32>} : memref<10240xf32, #tpu.memory_space<vmem>>, vector<16xf32>,
      tpu.vector_store %arg12[%swap3A], %broadcast_in_dim3A_43 {strides = array<i32>} : memref<10240xf32, #tpu.memory_space<vmem>>, vector<16xf32>,
    }
    %scan3A_5 = arith.constant 640 : i32
    %mul3A_6 = arith.constant 39 : i32
    %mul3A_7 = arith.muli %arg0, %mul3A_6 : i32
    %mul3A_8 = arith.constant 40 : i32
    %mul3A_9 = arith.muli %arg0, %mul3A_8 : i32
    %add3A = arith.constant 39 : i32
    %add3A_10 = arith.addi %add3A, %mul3A_9 : i32
    %eq3A = arith.constant 0 : i32
    %eq3A_11 = arith.cmpi eq, %arg0, %eq3A : i32
    %convert_element_type3A = arith.extui %eq3A_11 : i1 to i32
    %cond3A = arith.constant 0 : i32
    %cond3A_12 = arith.cmpi ne, %convert_element_type3A, %cond3A : i32
    scf.if %cond3A_12 {
      %lt3A = arith.constant 15 : i32
      %lt3A_42 = arith.cmpi slt, %arg1, %lt3A : i32
      %convert_element_type3A_43 = arith.extui %lt3A_42 : i1 to i32
      %cond3A_44 = arith.constant 0 : i32
      %cond3A_45 = arith.cmpi ne, %convert_element_type3A_43, %cond3A_44 : i32
      scf.if %cond3A_45 {
        "tpu.region"() ({
          %run_scoped3A = tpu.sem_alloc : memref<!tpu.dma_semaphore, #tpu.memory_space<semaphore_mem>>
          %dma_start3A = arith.constant 0 : i32
          %dma_start3A_51 = tpu.memref_slice %arg13[%mul3A_0, %dma_start3A] : memref<10240x128xf32, #tpu.memory_space<vmem_shared>> -> memref<640x128xf32, #tpu.memory_space<vmem_shared>>
          %dma_start3A_52 = arith.constant 0 : i32
          %dma_start3A_53 = tpu.memref_slice %arg2[%mul3A_0, %dma_start3A_52] : memref<10000x128xf32, #tpu.memory_space<hbm>> -> memref<640x128xf32, #tpu.memory_space<hbm>>
          tpu.enqueue_dma source(%dma_start3A_53 : memref<640x128xf32, #tpu.memory_space<hbm>>) target(%dma_start3A_51 : memref<640x128xf32, #tpu.memory_space<vmem_shared>>) target_semaphore(%run_scoped3A : memref<!tpu.dma_semaphore, #tpu.memory_space<semaphore_mem>>)
          %dma_wait3A = arith.constant 0 : i32
          %dma_wait3A_54 = tpu.memref_slice %arg13[%mul3A_0, %dma_wait3A] : memref<10240x128xf32, #tpu.memory_space<vmem_shared>> -> memref<640x128xf32, #tpu.memory_space<vmem_shared>>
          %dma_wait3A_55 = arith.constant 0 : i32
          %dma_wait3A_56 = tpu.memref_slice %arg2[%mul3A_0, %dma_wait3A_55] : memref<10000x128xf32, #tpu.memory_space<hbm>> -> memref<640x128xf32, #tpu.memory_space<hbm>>
          tpu.wait_dma2 semaphore(%run_scoped3A : memref<!tpu.dma_semaphore, #tpu.memory_space<semaphore_mem>>) src(%dma_wait3A_56 : memref<640x128xf32, #tpu.memory_space<hbm>>) dst(%dma_wait3A_54 : memref<640x128xf32, #tpu.memory_space<vmem_shared>>)
          tpu.yield
        }) : () -> ()
      } else {
      }
      %eq3A_46 = arith.constant 15 : i32
      %eq3A_47 = arith.cmpi eq, %arg1, %eq3A_46 : i32
      %convert_element_type3A_48 = arith.extui %eq3A_47 : i1 to i32
      %cond3A_49 = arith.constant 0 : i32
      %cond3A_50 = arith.cmpi ne, %convert_element_type3A_48, %cond3A_49 : i32
      scf.if %cond3A_50 {
        "tpu.region"() ({
          %run_scoped3A = tpu.sem_alloc : memref<!tpu.dma_semaphore, #tpu.memory_space<semaphore_mem>>
          %dma_start3A = arith.constant 9600 : i32
          %dma_start3A_51 = arith.constant 0 : i32
          %dma_start3A_52 = tpu.memref_slice %arg13[%dma_start3A, %dma_start3A_51] : memref<10240x128xf32, #tpu.memory_space<vmem_shared>> -> memref<400x128xf32, #tpu.memory_space<vmem_shared>>
          %dma_start3A_53 = arith.constant 9600 : i32
          %dma_start3A_54 = arith.constant 0 : i32
          %dma_start3A_55 = tpu.memref_slice %arg2[%dma_start3A_53, %dma_start3A_54] : memref<10000x128xf32, #tpu.memory_space<hbm>> -> memref<400x128xf32, #tpu.memory_space<hbm>>
          tpu.enqueue_dma source(%dma_start3A_55 : memref<400x128xf32, #tpu.memory_space<hbm>>) target(%dma_start3A_52 : memref<400x128xf32, #tpu.memory_space<vmem_shared>>) target_semaphore(%run_scoped3A : memref<!tpu.dma_semaphore, #tpu.memory_space<semaphore_mem>>)
          %dma_wait3A = arith.constant 9600 : i32
          %dma_wait3A_56 = arith.constant 0 : i32
          %dma_wait3A_57 = tpu.memref_slice %arg13[%dma_wait3A, %dma_wait3A_56] : memref<10240x128xf32, #tpu.memory_space<vmem_shared>> -> memref<400x128xf32, #tpu.memory_space<vmem_shared>>
          %dma_wait3A_58 = arith.constant 9600 : i32
          %dma_wait3A_59 = arith.constant 0 : i32
          %dma_wait3A_60 = tpu.memref_slice %arg2[%dma_wait3A_58, %dma_wait3A_59] : memref<10000x128xf32, #tpu.memory_space<hbm>> -> memref<400x128xf32, #tpu.memory_space<hbm>>
          tpu.wait_dma2 semaphore(%run_scoped3A : memref<!tpu.dma_semaphore, #tpu.memory_space<semaphore_mem>>) src(%dma_wait3A_60 : memref<400x128xf32, #tpu.memory_space<hbm>>) dst(%dma_wait3A_57 : memref<400x128xf32, #tpu.memory_space<vmem_shared>>)
          tpu.yield
        }) : () -> ()
      } else {
      }
    } else {
    }
    %eq3A_13 = arith.constant 1 : i32
    %eq3A_14 = arith.cmpi eq, %arg0, %eq3A_13 : i32
    %convert_element_type3A_15 = arith.extui %eq3A_14 : i1 to i32
    %cond3A_16 = arith.constant 0 : i32
    %cond3A_17 = arith.cmpi ne, %convert_element_type3A_15, %cond3A_16 : i32
    scf.if %cond3A_17 {
      %lt3A = arith.constant 15 : i32
      %lt3A_42 = arith.cmpi slt, %arg1, %lt3A : i32
      %convert_element_type3A_43 = arith.extui %lt3A_42 : i1 to i32
      %cond3A_44 = arith.constant 0 : i32
      %cond3A_45 = arith.cmpi ne, %convert_element_type3A_43, %cond3A_44 : i32
      scf.if %cond3A_45 {
        "tpu.region"() ({
          %run_scoped3A = tpu.sem_alloc : memref<!tpu.dma_semaphore, #tpu.memory_space<semaphore_mem>>
          %dma_start3A = arith.constant 0 : i32
          %dma_start3A_51 = tpu.memref_slice %arg13[%mul3A_0, %dma_start3A] : memref<10240x128xf32, #tpu.memory_space<vmem_shared>> -> memref<640x128xf32, #tpu.memory_space<vmem_shared>>
          %dma_start3A_52 = arith.constant 0 : i32
          %dma_start3A_53 = tpu.memref_slice %arg3[%mul3A_0, %dma_start3A_52] : memref<10000x128xf32, #tpu.memory_space<hbm>> -> memref<640x128xf32, #tpu.memory_space<hbm>>
          tpu.enqueue_dma source(%dma_start3A_53 : memref<640x128xf32, #tpu.memory_space<hbm>>) target(%dma_start3A_51 : memref<640x128xf32, #tpu.memory_space<vmem_shared>>) target_semaphore(%run_scoped3A : memref<!tpu.dma_semaphore, #tpu.memory_space<semaphore_mem>>)
          %dma_wait3A = arith.constant 0 : i32
          %dma_wait3A_54 = tpu.memref_slice %arg13[%mul3A_0, %dma_wait3A] : memref<10240x128xf32, #tpu.memory_space<vmem_shared>> -> memref<640x128xf32, #tpu.memory_space<vmem_shared>>
          %dma_wait3A_55 = arith.constant 0 : i32
          %dma_wait3A_56 = tpu.memref_slice %arg3[%mul3A_0, %dma_wait3A_55] : memref<10000x128xf32, #tpu.memory_space<hbm>> -> memref<640x128xf32, #tpu.memory_space<hbm>>
          tpu.wait_dma2 semaphore(%run_scoped3A : memref<!tpu.dma_semaphore, #tpu.memory_space<semaphore_mem>>) src(%dma_wait3A_56 : memref<640x128xf32, #tpu.memory_space<hbm>>) dst(%dma_wait3A_54 : memref<640x128xf32, #tpu.memory_space<vmem_shared>>)
          tpu.yield
        }) : () -> ()
      } else {
      }
      %eq3A_46 = arith.constant 15 : i32
      %eq3A_47 = arith.cmpi eq, %arg1, %eq3A_46 : i32
      %convert_element_type3A_48 = arith.extui %eq3A_47 : i1 to i32
      %cond3A_49 = arith.constant 0 : i32
      %cond3A_50 = arith.cmpi ne, %convert_element_type3A_48, %cond3A_49 : i32
      scf.if %cond3A_50 {
        "tpu.region"() ({
          %run_scoped3A = tpu.sem_alloc : memref<!tpu.dma_semaphore, #tpu.memory_space<semaphore_mem>>
          %dma_start3A = arith.constant 9600 : i32
          %dma_start3A_51 = arith.constant 0 : i32
          %dma_start3A_52 = tpu.memref_slice %arg13[%dma_start3A, %dma_start3A_51] : memref<10240x128xf32, #tpu.memory_space<vmem_shared>> -> memref<400x128xf32, #tpu.memory_space<vmem_shared>>
          %dma_start3A_53 = arith.constant 9600 : i32
          %dma_start3A_54 = arith.constant 0 : i32
          %dma_start3A_55 = tpu.memref_slice %arg3[%dma_start3A_53, %dma_start3A_54] : memref<10000x128xf32, #tpu.memory_space<hbm>> -> memref<400x128xf32, #tpu.memory_space<hbm>>
          tpu.enqueue_dma source(%dma_start3A_55 : memref<400x128xf32, #tpu.memory_space<hbm>>) target(%dma_start3A_52 : memref<400x128xf32, #tpu.memory_space<vmem_shared>>) target_semaphore(%run_scoped3A : memref<!tpu.dma_semaphore, #tpu.memory_space<semaphore_mem>>)
          %dma_wait3A = arith.constant 9600 : i32
          %dma_wait3A_56 = arith.constant 0 : i32
          %dma_wait3A_57 = tpu.memref_slice %arg13[%dma_wait3A, %dma_wait3A_56] : memref<10240x128xf32, #tpu.memory_space<vmem_shared>> -> memref<400x128xf32, #tpu.memory_space<vmem_shared>>
          %dma_wait3A_58 = arith.constant 9600 : i32
          %dma_wait3A_59 = arith.constant 0 : i32
          %dma_wait3A_60 = tpu.memref_slice %arg3[%dma_wait3A_58, %dma_wait3A_59] : memref<10000x128xf32, #tpu.memory_space<hbm>> -> memref<400x128xf32, #tpu.memory_space<hbm>>
          tpu.wait_dma2 semaphore(%run_scoped3A : memref<!tpu.dma_semaphore, #tpu.memory_space<semaphore_mem>>) src(%dma_wait3A_60 : memref<400x128xf32, #tpu.memory_space<hbm>>) dst(%dma_wait3A_57 : memref<400x128xf32, #tpu.memory_space<vmem_shared>>)
          tpu.yield
        }) : () -> ()
      } else {
      }
    } else {
    }
    %barrier3A = arith.constant 0 : index
    tpu.barrier barrier_id(%barrier3A)
    %eq3A_18 = arith.constant 0 : i32
    %eq3A_19 = arith.cmpi eq, %arg0, %eq3A_18 : i32
    %convert_element_type3A_20 = arith.extui %eq3A_19 : i1 to i32
    %cond3A_21 = arith.constant 0 : i32
    %cond3A_22 = arith.cmpi ne, %convert_element_type3A_20, %cond3A_21 : i32
    scf.if %cond3A_22 {
      %scan3A_42 = arith.constant 0 : i32
      %scan3A_43 = arith.constant 0 : i32
      %scan3A_44 = arith.constant 79 : i32
      %scan3A_45 = arith.addi %scan3A_43, %scan3A_44 : i32
      %scan3A_46 = arith.constant 1 : i32
      scf.for %scan3A_48 = %scan3A_43 to %scan3A_45 step %scan3A_46  : i32 {
        %dma_start3A = arith.constant 0 : i32
        %dma_start3A_49 = tpu.memref_slice %arg9[%scan3A_48, %dma_start3A] : memref<79x128xi32, #tpu.memory_space<vmem>> -> memref<1x128xi32, #tpu.memory_space<vmem>>
        %dma_start3A_50 = tpu.memref_squeeze %dma_start3A_49 : memref<1x128xi32, #tpu.memory_space<vmem>> -> memref<128xi32, #tpu.memory_space<vmem>>
        %dma_start3A_51 = arith.constant 0 : i32
        %dma_start3A_52 = arith.constant 0 : i32
        %dma_start3A_53 = tpu.memref_slice %arg2[%dma_start3A_51, %dma_start3A_52] : memref<10000x128xf32, #tpu.memory_space<hbm>> -> memref<10000x128xf32, #tpu.memory_space<hbm>>
        tpu.enqueue_indirect_dma source(%dma_start3A_53 : memref<10000x128xf32, #tpu.memory_space<hbm>>) target(%arg11 : memref<128x128xf32, #tpu.memory_space<vmem>>) offsets(%dma_start3A_50 : memref<128xi32, #tpu.memory_space<vmem>>) semaphore(%arg14 : memref<!tpu.dma_semaphore, #tpu.memory_space<semaphore_mem>>)
        %ge3A = arith.cmpi sge, %scan3A_48, %mul3A_7 : i32
        %lt3A = arith.cmpi slt, %scan3A_48, %add3A_10 : i32
        %and3A = arith.andi %ge3A, %lt3A : i1
        %convert_element_type3A_54 = arith.extui %and3A : i1 to i32
        %cond3A_55 = arith.constant 0 : i32
        %cond3A_56 = arith.cmpi ne, %convert_element_type3A_54, %cond3A_55 : i32
        scf.if %cond3A_56 {
          %broadcast_in_dim3A = arith.constant 1.000000e+00 : f32
          %broadcast_in_dim3A_62 = vector.broadcast %broadcast_in_dim3A : f32 to vector<16xf32>
          %get3A = arith.index_cast %scan3A_48 : i32 to index
          %get3A_63 = arith.constant 0 : index
          %get3A_64 = tpu.vector_load %arg10[%get3A, %get3A_63] {strides = array<i32>} : memref<79x128xi32, #tpu.memory_space<vmem>>, vector<16xi32>,
          tpu.vector_store_idx %arg12[%get3A_64], %broadcast_in_dim3A_62 {add = true} : memref<10240xf32, #tpu.memory_space<vmem>>[vector<16xi32>], vector<16xf32>,
          %get3A_65 = arith.index_cast %scan3A_48 : i32 to index
          %get3A_66 = arith.constant 16 : index
          %get3A_67 = tpu.vector_load %arg10[%get3A_65, %get3A_66] {strides = array<i32>} : memref<79x128xi32, #tpu.memory_space<vmem>>, vector<16xi32>,
          tpu.vector_store_idx %arg12[%get3A_67], %broadcast_in_dim3A_62 {add = true} : memref<10240xf32, #tpu.memory_space<vmem>>[vector<16xi32>], vector<16xf32>,
          %get3A_68 = arith.index_cast %scan3A_48 : i32 to index
          %get3A_69 = arith.constant 32 : index
          %get3A_70 = tpu.vector_load %arg10[%get3A_68, %get3A_69] {strides = array<i32>} : memref<79x128xi32, #tpu.memory_space<vmem>>, vector<16xi32>,
          tpu.vector_store_idx %arg12[%get3A_70], %broadcast_in_dim3A_62 {add = true} : memref<10240xf32, #tpu.memory_space<vmem>>[vector<16xi32>], vector<16xf32>,
          %get3A_71 = arith.index_cast %scan3A_48 : i32 to index
          %get3A_72 = arith.constant 48 : index
          %get3A_73 = tpu.vector_load %arg10[%get3A_71, %get3A_72] {strides = array<i32>} : memref<79x128xi32, #tpu.memory_space<vmem>>, vector<16xi32>,
          tpu.vector_store_idx %arg12[%get3A_73], %broadcast_in_dim3A_62 {add = true} : memref<10240xf32, #tpu.memory_space<vmem>>[vector<16xi32>], vector<16xf32>,
          %get3A_74 = arith.index_cast %scan3A_48 : i32 to index
          %get3A_75 = arith.constant 64 : index
          %get3A_76 = tpu.vector_load %arg10[%get3A_74, %get3A_75] {strides = array<i32>} : memref<79x128xi32, #tpu.memory_space<vmem>>, vector<16xi32>,
          tpu.vector_store_idx %arg12[%get3A_76], %broadcast_in_dim3A_62 {add = true} : memref<10240xf32, #tpu.memory_space<vmem>>[vector<16xi32>], vector<16xf32>,
          %get3A_77 = arith.index_cast %scan3A_48 : i32 to index
          %get3A_78 = arith.constant 80 : index
          %get3A_79 = tpu.vector_load %arg10[%get3A_77, %get3A_78] {strides = array<i32>} : memref<79x128xi32, #tpu.memory_space<vmem>>, vector<16xi32>,
          tpu.vector_store_idx %arg12[%get3A_79], %broadcast_in_dim3A_62 {add = true} : memref<10240xf32, #tpu.memory_space<vmem>>[vector<16xi32>], vector<16xf32>,
          %get3A_80 = arith.index_cast %scan3A_48 : i32 to index
          %get3A_81 = arith.constant 96 : index
          %get3A_82 = tpu.vector_load %arg10[%get3A_80, %get3A_81] {strides = array<i32>} : memref<79x128xi32, #tpu.memory_space<vmem>>, vector<16xi32>,
          tpu.vector_store_idx %arg12[%get3A_82], %broadcast_in_dim3A_62 {add = true} : memref<10240xf32, #tpu.memory_space<vmem>>[vector<16xi32>], vector<16xf32>,
          %get3A_83 = arith.index_cast %scan3A_48 : i32 to index
          %get3A_84 = arith.constant 112 : index
          %get3A_85 = tpu.vector_load %arg10[%get3A_83, %get3A_84] {strides = array<i32>} : memref<79x128xi32, #tpu.memory_space<vmem>>, vector<16xi32>,
          tpu.vector_store_idx %arg12[%get3A_85], %broadcast_in_dim3A_62 {add = true} : memref<10240xf32, #tpu.memory_space<vmem>>[vector<16xi32>], vector<16xf32>,
        } else {
        }
        %dma_wait3A = arith.constant 0 : i32
        %dma_wait3A_57 = tpu.memref_slice %arg9[%scan3A_48, %dma_wait3A] : memref<79x128xi32, #tpu.memory_space<vmem>> -> memref<1x128xi32, #tpu.memory_space<vmem>>
        %dma_wait3A_58 = tpu.memref_squeeze %dma_wait3A_57 : memref<1x128xi32, #tpu.memory_space<vmem>> -> memref<128xi32, #tpu.memory_space<vmem>>
        %dma_wait3A_59 = arith.constant 0 : i32
        %dma_wait3A_60 = arith.constant 0 : i32
        %dma_wait3A_61 = tpu.memref_slice %arg2[%dma_wait3A_59, %dma_wait3A_60] : memref<10000x128xf32, #tpu.memory_space<hbm>> -> memref<10000x128xf32, #tpu.memory_space<hbm>>
        tpu.wait_indirect_dma semaphore(%arg14 : memref<!tpu.dma_semaphore, #tpu.memory_space<semaphore_mem>>) src(%dma_wait3A_61 : memref<10000x128xf32, #tpu.memory_space<hbm>>) dst(%arg11 : memref<128x128xf32, #tpu.memory_space<vmem>>)
        "tpu.region"() ({
          %run_scoped3A = tpu.sem_alloc : memref<!tpu.dma_semaphore, #tpu.memory_space<semaphore_mem>>
          %dma_start3A_62 = arith.constant 0 : i32
          %dma_start3A_63 = tpu.memref_slice %arg10[%scan3A_48, %dma_start3A_62] : memref<79x128xi32, #tpu.memory_space<vmem>> -> memref<1x128xi32, #tpu.memory_space<vmem>>
          %dma_start3A_64 = tpu.memref_squeeze %dma_start3A_63 : memref<1x128xi32, #tpu.memory_space<vmem>> -> memref<128xi32, #tpu.memory_space<vmem>>
          %dma_start3A_65 = arith.constant 0 : i32
          %dma_start3A_66 = arith.constant 0 : i32
          %dma_start3A_67 = tpu.memref_slice %arg13[%dma_start3A_65, %dma_start3A_66] : memref<10240x128xf32, #tpu.memory_space<vmem_shared>> -> memref<10240x128xf32, #tpu.memory_space<vmem_shared>>
          tpu.enqueue_indirect_dma source(%arg11 : memref<128x128xf32, #tpu.memory_space<vmem>>) target(%dma_start3A_67 : memref<10240x128xf32, #tpu.memory_space<vmem_shared>>) offsets(%dma_start3A_64 : memref<128xi32, #tpu.memory_space<vmem>>) semaphore(%run_scoped3A : memref<!tpu.dma_semaphore, #tpu.memory_space<semaphore_mem>>) {add = true}
          %dma_wait3A_68 = arith.constant 0 : i32
          %dma_wait3A_69 = tpu.memref_slice %arg10[%scan3A_48, %dma_wait3A_68] : memref<79x128xi32, #tpu.memory_space<vmem>> -> memref<1x128xi32, #tpu.memory_space<vmem>>
          %dma_wait3A_70 = tpu.memref_squeeze %dma_wait3A_69 : memref<1x128xi32, #tpu.memory_space<vmem>> -> memref<128xi32, #tpu.memory_space<vmem>>
          %dma_wait3A_71 = arith.constant 0 : i32
          %dma_wait3A_72 = arith.constant 0 : i32
          %dma_wait3A_73 = tpu.memref_slice %arg13[%dma_wait3A_71, %dma_wait3A_72] : memref<10240x128xf32, #tpu.memory_space<vmem_shared>> -> memref<10240x128xf32, #tpu.memory_space<vmem_shared>>
          tpu.wait_indirect_dma semaphore(%run_scoped3A : memref<!tpu.dma_semaphore, #tpu.memory_space<semaphore_mem>>) src(%arg11 : memref<128x128xf32, #tpu.memory_space<vmem>>) dst(%dma_wait3A_73 : memref<10240x128xf32, #tpu.memory_space<vmem_shared>>)
          tpu.yield
        }) : () -> ()
      }
      %scan3A_47 = arith.constant 79 : i32
    } else {
    }
    %eq3A_23 = arith.constant 1 : i32
    %eq3A_24 = arith.cmpi eq, %arg0, %eq3A_23 : i32
    %convert_element_type3A_25 = arith.extui %eq3A_24 : i1 to i32
    %cond3A_26 = arith.constant 0 : i32
    %cond3A_27 = arith.cmpi ne, %convert_element_type3A_25, %cond3A_26 : i32
    scf.if %cond3A_27 {
      %scan3A_42 = arith.constant 0 : i32
      %scan3A_43 = arith.constant 0 : i32
      %scan3A_44 = arith.constant 79 : i32
      %scan3A_45 = arith.addi %scan3A_43, %scan3A_44 : i32
      %scan3A_46 = arith.constant 1 : i32
      scf.for %scan3A_48 = %scan3A_43 to %scan3A_45 step %scan3A_46  : i32 {
        %dma_start3A = arith.constant 0 : i32
        %dma_start3A_49 = tpu.memref_slice %arg9[%scan3A_48, %dma_start3A] : memref<79x128xi32, #tpu.memory_space<vmem>> -> memref<1x128xi32, #tpu.memory_space<vmem>>
        %dma_start3A_50 = tpu.memref_squeeze %dma_start3A_49 : memref<1x128xi32, #tpu.memory_space<vmem>> -> memref<128xi32, #tpu.memory_space<vmem>>
        %dma_start3A_51 = arith.constant 0 : i32
        %dma_start3A_52 = arith.constant 0 : i32
        %dma_start3A_53 = tpu.memref_slice %arg3[%dma_start3A_51, %dma_start3A_52] : memref<10000x128xf32, #tpu.memory_space<hbm>> -> memref<10000x128xf32, #tpu.memory_space<hbm>>
        tpu.enqueue_indirect_dma source(%dma_start3A_53 : memref<10000x128xf32, #tpu.memory_space<hbm>>) target(%arg11 : memref<128x128xf32, #tpu.memory_space<vmem>>) offsets(%dma_start3A_50 : memref<128xi32, #tpu.memory_space<vmem>>) semaphore(%arg14 : memref<!tpu.dma_semaphore, #tpu.memory_space<semaphore_mem>>)
        %ge3A = arith.cmpi sge, %scan3A_48, %mul3A_7 : i32
        %lt3A = arith.cmpi slt, %scan3A_48, %add3A_10 : i32
        %and3A = arith.andi %ge3A, %lt3A : i1
        %convert_element_type3A_54 = arith.extui %and3A : i1 to i32
        %cond3A_55 = arith.constant 0 : i32
        %cond3A_56 = arith.cmpi ne, %convert_element_type3A_54, %cond3A_55 : i32
        scf.if %cond3A_56 {
          %broadcast_in_dim3A = arith.constant 1.000000e+00 : f32
          %broadcast_in_dim3A_62 = vector.broadcast %broadcast_in_dim3A : f32 to vector<16xf32>
          %get3A = arith.index_cast %scan3A_48 : i32 to index
          %get3A_63 = arith.constant 0 : index
          %get3A_64 = tpu.vector_load %arg10[%get3A, %get3A_63] {strides = array<i32>} : memref<79x128xi32, #tpu.memory_space<vmem>>, vector<16xi32>,
          tpu.vector_store_idx %arg12[%get3A_64], %broadcast_in_dim3A_62 {add = true} : memref<10240xf32, #tpu.memory_space<vmem>>[vector<16xi32>], vector<16xf32>,
          %get3A_65 = arith.index_cast %scan3A_48 : i32 to index
          %get3A_66 = arith.constant 16 : index
          %get3A_67 = tpu.vector_load %arg10[%get3A_65, %get3A_66] {strides = array<i32>} : memref<79x128xi32, #tpu.memory_space<vmem>>, vector<16xi32>,
          tpu.vector_store_idx %arg12[%get3A_67], %broadcast_in_dim3A_62 {add = true} : memref<10240xf32, #tpu.memory_space<vmem>>[vector<16xi32>], vector<16xf32>,
          %get3A_68 = arith.index_cast %scan3A_48 : i32 to index
          %get3A_69 = arith.constant 32 : index
          %get3A_70 = tpu.vector_load %arg10[%get3A_68, %get3A_69] {strides = array<i32>} : memref<79x128xi32, #tpu.memory_space<vmem>>, vector<16xi32>,
          tpu.vector_store_idx %arg12[%get3A_70], %broadcast_in_dim3A_62 {add = true} : memref<10240xf32, #tpu.memory_space<vmem>>[vector<16xi32>], vector<16xf32>,
          %get3A_71 = arith.index_cast %scan3A_48 : i32 to index
          %get3A_72 = arith.constant 48 : index
          %get3A_73 = tpu.vector_load %arg10[%get3A_71, %get3A_72] {strides = array<i32>} : memref<79x128xi32, #tpu.memory_space<vmem>>, vector<16xi32>,
          tpu.vector_store_idx %arg12[%get3A_73], %broadcast_in_dim3A_62 {add = true} : memref<10240xf32, #tpu.memory_space<vmem>>[vector<16xi32>], vector<16xf32>,
          %get3A_74 = arith.index_cast %scan3A_48 : i32 to index
          %get3A_75 = arith.constant 64 : index
          %get3A_76 = tpu.vector_load %arg10[%get3A_74, %get3A_75] {strides = array<i32>} : memref<79x128xi32, #tpu.memory_space<vmem>>, vector<16xi32>,
          tpu.vector_store_idx %arg12[%get3A_76], %broadcast_in_dim3A_62 {add = true} : memref<10240xf32, #tpu.memory_space<vmem>>[vector<16xi32>], vector<16xf32>,
          %get3A_77 = arith.index_cast %scan3A_48 : i32 to index
          %get3A_78 = arith.constant 80 : index
          %get3A_79 = tpu.vector_load %arg10[%get3A_77, %get3A_78] {strides = array<i32>} : memref<79x128xi32, #tpu.memory_space<vmem>>, vector<16xi32>,
          tpu.vector_store_idx %arg12[%get3A_79], %broadcast_in_dim3A_62 {add = true} : memref<10240xf32, #tpu.memory_space<vmem>>[vector<16xi32>], vector<16xf32>,
          %get3A_80 = arith.index_cast %scan3A_48 : i32 to index
          %get3A_81 = arith.constant 96 : index
          %get3A_82 = tpu.vector_load %arg10[%get3A_80, %get3A_81] {strides = array<i32>} : memref<79x128xi32, #tpu.memory_space<vmem>>, vector<16xi32>,
          tpu.vector_store_idx %arg12[%get3A_82], %broadcast_in_dim3A_62 {add = true} : memref<10240xf32, #tpu.memory_space<vmem>>[vector<16xi32>], vector<16xf32>,
          %get3A_83 = arith.index_cast %scan3A_48 : i32 to index
          %get3A_84 = arith.constant 112 : index
          %get3A_85 = tpu.vector_load %arg10[%get3A_83, %get3A_84] {strides = array<i32>} : memref<79x128xi32, #tpu.memory_space<vmem>>, vector<16xi32>,
          tpu.vector_store_idx %arg12[%get3A_85], %broadcast_in_dim3A_62 {add = true} : memref<10240xf32, #tpu.memory_space<vmem>>[vector<16xi32>], vector<16xf32>,
        } else {
        }
        %dma_wait3A = arith.constant 0 : i32
        %dma_wait3A_57 = tpu.memref_slice %arg9[%scan3A_48, %dma_wait3A] : memref<79x128xi32, #tpu.memory_space<vmem>> -> memref<1x128xi32, #tpu.memory_space<vmem>>
        %dma_wait3A_58 = tpu.memref_squeeze %dma_wait3A_57 : memref<1x128xi32, #tpu.memory_space<vmem>> -> memref<128xi32, #tpu.memory_space<vmem>>
        %dma_wait3A_59 = arith.constant 0 : i32
        %dma_wait3A_60 = arith.constant 0 : i32
        %dma_wait3A_61 = tpu.memref_slice %arg3[%dma_wait3A_59, %dma_wait3A_60] : memref<10000x128xf32, #tpu.memory_space<hbm>> -> memref<10000x128xf32, #tpu.memory_space<hbm>>
        tpu.wait_indirect_dma semaphore(%arg14 : memref<!tpu.dma_semaphore, #tpu.memory_space<semaphore_mem>>) src(%dma_wait3A_61 : memref<10000x128xf32, #tpu.memory_space<hbm>>) dst(%arg11 : memref<128x128xf32, #tpu.memory_space<vmem>>)
        "tpu.region"() ({
          %run_scoped3A = tpu.sem_alloc : memref<!tpu.dma_semaphore, #tpu.memory_space<semaphore_mem>>
          %dma_start3A_62 = arith.constant 0 : i32
          %dma_start3A_63 = tpu.memref_slice %arg10[%scan3A_48, %dma_start3A_62] : memref<79x128xi32, #tpu.memory_space<vmem>> -> memref<1x128xi32, #tpu.memory_space<vmem>>
          %dma_start3A_64 = tpu.memref_squeeze %dma_start3A_63 : memref<1x128xi32, #tpu.memory_space<vmem>> -> memref<128xi32, #tpu.memory_space<vmem>>
          %dma_start3A_65 = arith.constant 0 : i32
          %dma_start3A_66 = arith.constant 0 : i32
          %dma_start3A_67 = tpu.memref_slice %arg13[%dma_start3A_65, %dma_start3A_66] : memref<10240x128xf32, #tpu.memory_space<vmem_shared>> -> memref<10240x128xf32, #tpu.memory_space<vmem_shared>>
          tpu.enqueue_indirect_dma source(%arg11 : memref<128x128xf32, #tpu.memory_space<vmem>>) target(%dma_start3A_67 : memref<10240x128xf32, #tpu.memory_space<vmem_shared>>) offsets(%dma_start3A_64 : memref<128xi32, #tpu.memory_space<vmem>>) semaphore(%run_scoped3A : memref<!tpu.dma_semaphore, #tpu.memory_space<semaphore_mem>>) {add = true}
          %dma_wait3A_68 = arith.constant 0 : i32
          %dma_wait3A_69 = tpu.memref_slice %arg10[%scan3A_48, %dma_wait3A_68] : memref<79x128xi32, #tpu.memory_space<vmem>> -> memref<1x128xi32, #tpu.memory_space<vmem>>
          %dma_wait3A_70 = tpu.memref_squeeze %dma_wait3A_69 : memref<1x128xi32, #tpu.memory_space<vmem>> -> memref<128xi32, #tpu.memory_space<vmem>>
          %dma_wait3A_71 = arith.constant 0 : i32
          %dma_wait3A_72 = arith.constant 0 : i32
          %dma_wait3A_73 = tpu.memref_slice %arg13[%dma_wait3A_71, %dma_wait3A_72] : memref<10240x128xf32, #tpu.memory_space<vmem_shared>> -> memref<10240x128xf32, #tpu.memory_space<vmem_shared>>
          tpu.wait_indirect_dma semaphore(%run_scoped3A : memref<!tpu.dma_semaphore, #tpu.memory_space<semaphore_mem>>) src(%arg11 : memref<128x128xf32, #tpu.memory_space<vmem>>) dst(%dma_wait3A_73 : memref<10240x128xf32, #tpu.memory_space<vmem_shared>>)
          tpu.yield
        }) : () -> ()
      }
      %scan3A_47 = arith.constant 79 : i32
    } else {
    }
    %barrier3A_28 = arith.constant 0 : index
    tpu.barrier barrier_id(%barrier3A_28)
    %mul3A_29 = arith.constant 16 : i32
    %mul3A_30 = arith.muli %arg0, %mul3A_29 : i32
    %add3A_31 = arith.addi %mul3A_30, %arg1 : i32
    "tpu.region"() ({
      %run_scoped3A = tpu.sem_alloc : memref<!tpu.dma_semaphore, #tpu.memory_space<semaphore_mem>>
      %dma_start3A = arith.constant 0 : i32
      %dma_start3A_42 = tpu.memref_slice %arg8[%add3A_31, %dma_start3A] : memref<32x10240xf32, #tpu.memory_space<hbm>> -> memref<1x10240xf32, #tpu.memory_space<hbm>>
      %dma_start3A_43 = tpu.memref_squeeze %dma_start3A_42 : memref<1x10240xf32, #tpu.memory_space<hbm>> -> memref<10240xf32, #tpu.memory_space<hbm>>
      %dma_start3A_44 = arith.constant 0 : i32
      %dma_start3A_45 = tpu.memref_slice %arg8[%add3A_31, %dma_start3A_44] : memref<32x10240xf32, #tpu.memory_space<hbm>> -> memref<1x10240xf32, #tpu.memory_space<hbm>>
      %dma_start3A_46 = tpu.memref_squeeze %dma_start3A_45 : memref<1x10240xf32, #tpu.memory_space<hbm>> -> memref<10240xf32, #tpu.memory_space<hbm>>
      tpu.enqueue_dma source(%arg12 : memref<10240xf32, #tpu.memory_space<vmem>>) target(%dma_start3A_46 : memref<10240xf32, #tpu.memory_space<hbm>>) target_semaphore(%run_scoped3A : memref<!tpu.dma_semaphore, #tpu.memory_space<semaphore_mem>>)
      %dma_wait3A = arith.constant 0 : i32
      %dma_wait3A_47 = tpu.memref_slice %arg8[%add3A_31, %dma_wait3A] : memref<32x10240xf32, #tpu.memory_space<hbm>> -> memref<1x10240xf32, #tpu.memory_space<hbm>>
      %dma_wait3A_48 = tpu.memref_squeeze %dma_wait3A_47 : memref<1x10240xf32, #tpu.memory_space<hbm>> -> memref<10240xf32, #tpu.memory_space<hbm>>
      %dma_wait3A_49 = arith.constant 0 : i32
      %dma_wait3A_50 = tpu.memref_slice %arg8[%add3A_31, %dma_wait3A_49] : memref<32x10240xf32, #tpu.memory_space<hbm>> -> memref<1x10240xf32, #tpu.memory_space<hbm>>
      %dma_wait3A_51 = tpu.memref_squeeze %dma_wait3A_50 : memref<1x10240xf32, #tpu.memory_space<hbm>> -> memref<10240xf32, #tpu.memory_space<hbm>>
      tpu.wait_dma2 semaphore(%run_scoped3A : memref<!tpu.dma_semaphore, #tpu.memory_space<semaphore_mem>>) src(%arg12 : memref<10240xf32, #tpu.memory_space<vmem>>) dst(%dma_wait3A_51 : memref<10240xf32, #tpu.memory_space<hbm>>)
      tpu.yield
    }) : () -> ()
    %eq3A_32 = arith.constant 0 : i32
    %eq3A_33 = arith.cmpi eq, %arg0, %eq3A_32 : i32
    %convert_element_type3A_34 = arith.extui %eq3A_33 : i1 to i32
    %cond3A_35 = arith.constant 0 : i32
    %cond3A_36 = arith.cmpi ne, %convert_element_type3A_34, %cond3A_35 : i32
    scf.if %cond3A_36 {
      "tpu.region"() ({
        %run_scoped3A = tpu.sem_alloc : memref<!tpu.dma_semaphore, #tpu.memory_space<semaphore_mem>>
        %dma_start3A = arith.constant 0 : i32
        %dma_start3A_42 = tpu.memref_slice %arg6[%mul3A_0, %dma_start3A] : memref<10240x128xf32, #tpu.memory_space<hbm>> -> memref<640x128xf32, #tpu.memory_space<hbm>>
        %dma_start3A_43 = arith.constant 0 : i32
        %dma_start3A_44 = tpu.memref_slice %arg13[%mul3A_0, %dma_start3A_43] : memref<10240x128xf32, #tpu.memory_space<vmem_shared>> -> memref<640x128xf32, #tpu.memory_space<vmem_shared>>
        tpu.enqueue_dma source(%dma_start3A_44 : memref<640x128xf32, #tpu.memory_space<vmem_shared>>) target(%dma_start3A_42 : memref<640x128xf32, #tpu.memory_space<hbm>>) target_semaphore(%run_scoped3A : memref<!tpu.dma_semaphore, #tpu.memory_space<semaphore_mem>>)
        %dma_wait3A = arith.constant 0 : i32
        %dma_wait3A_45 = tpu.memref_slice %arg6[%mul3A_0, %dma_wait3A] : memref<10240x128xf32, #tpu.memory_space<hbm>> -> memref<640x128xf32, #tpu.memory_space<hbm>>
        %dma_wait3A_46 = arith.constant 0 : i32
        %dma_wait3A_47 = tpu.memref_slice %arg13[%mul3A_0, %dma_wait3A_46] : memref<10240x128xf32, #tpu.memory_space<vmem_shared>> -> memref<640x128xf32, #tpu.memory_space<vmem_shared>>
        tpu.wait_dma2 semaphore(%run_scoped3A : memref<!tpu.dma_semaphore, #tpu.memory_space<semaphore_mem>>) src(%dma_wait3A_47 : memref<640x128xf32, #tpu.memory_space<vmem_shared>>) dst(%dma_wait3A_45 : memref<640x128xf32, #tpu.memory_space<hbm>>)
        tpu.yield
      }) : () -> ()
    } else {
    }
    %eq3A_37 = arith.constant 1 : i32
    %eq3A_38 = arith.cmpi eq, %arg0, %eq3A_37 : i32
    %convert_element_type3A_39 = arith.extui %eq3A_38 : i1 to i32
    %cond3A_40 = arith.constant 0 : i32
    %cond3A_41 = arith.cmpi ne, %convert_element_type3A_39, %cond3A_40 : i32
    scf.if %cond3A_41 {
      "tpu.region"() ({
        %run_scoped3A = tpu.sem_alloc : memref<!tpu.dma_semaphore, #tpu.memory_space<semaphore_mem>>
        %dma_start3A = arith.constant 0 : i32
        %dma_start3A_42 = tpu.memref_slice %arg7[%mul3A_0, %dma_start3A] : memref<10240x128xf32, #tpu.memory_space<hbm>> -> memref<640x128xf32, #tpu.memory_space<hbm>>
        %dma_start3A_43 = arith.constant 0 : i32
        %dma_start3A_44 = tpu.memref_slice %arg13[%mul3A_0, %dma_start3A_43] : memref<10240x128xf32, #tpu.memory_space<vmem_shared>> -> memref<640x128xf32, #tpu.memory_space<vmem_shared>>
        tpu.enqueue_dma source(%dma_start3A_44 : memref<640x128xf32, #tpu.memory_space<vmem_shared>>) target(%dma_start3A_42 : memref<640x128xf32, #tpu.memory_space<hbm>>) target_semaphore(%run_scoped3A : memref<!tpu.dma_semaphore, #tpu.memory_space<semaphore_mem>>)
        %dma_wait3A = arith.constant 0 : i32
        %dma_wait3A_45 = tpu.memref_slice %arg7[%mul3A_0, %dma_wait3A] : memref<10240x128xf32, #tpu.memory_space<hbm>> -> memref<640x128xf32, #tpu.memory_space<hbm>>
        %dma_wait3A_46 = arith.constant 0 : i32
        %dma_wait3A_47 = tpu.memref_slice %arg13[%mul3A_0, %dma_wait3A_46] : memref<10240x128xf32, #tpu.memory_space<vmem_shared>> -> memref<640x128xf32, #tpu.memory_space<vmem_shared>>
        tpu.wait_dma2 semaphore(%run_scoped3A : memref<!tpu.dma_semaphore, #tpu.memory_space<semaphore_mem>>) src(%dma_wait3A_47 : memref<640x128xf32, #tpu.memory_space<vmem_shared>>) dst(%dma_wait3A_45 : memref<640x128xf32, #tpu.memory_space<hbm>>)
        tpu.yield
      }) : () -> ()
    } else {
    }
    return
  }
}

module attributes {stable_mosaic.version = 14 : i64} {
  func.func @_tc_body(%arg0: i32, %arg1: memref<1000x128xf32, #tpu.memory_space<vmem>>, %arg2: memref<1000x128xf32, #tpu.memory_space<vmem>>, %arg3: memref<1000x32xf32, #tpu.memory_space<vmem>>, %arg4: memref<128x256xf32, #tpu.memory_space<vmem>>, %arg5: memref<128x256xf32, #tpu.memory_space<vmem>>, %arg6: memref<1x256xf32, #tpu.memory_space<vmem>>, %arg7: memref<1000x256xf32, #tpu.memory_space<vmem>>) attributes {dimension_semantics = [#tpu.dimension_semantics<arbitrary>], iteration_bounds = array<i64: 10>, scalar_prefetch = 0 : i64, scratch_operands = 0 : i64, tpu.core_type = #tpu.core_type<tc>, window_params = [{transform_indices = @transform_0, window_bounds = array<i64: 1000, 128>}, {transform_indices = @transform_1, window_bounds = array<i64: 1000, 128>}, {transform_indices = @transform_2, window_bounds = array<i64: 1000, 32>}, {pipeline_mode = #tpu.pipeline_mode<synchronous>, transform_indices = @transform_3, window_bounds = array<i64: 128, 256>}, {pipeline_mode = #tpu.pipeline_mode<synchronous>, transform_indices = @transform_4, window_bounds = array<i64: 128, 256>}, {pipeline_mode = #tpu.pipeline_mode<synchronous>, transform_indices = @transform_5, window_bounds = array<i64: 1, 256>}, {transform_indices = @transform_6, window_bounds = array<i64: 1000, 256>}]} {
    %get3A = arith.constant 0 : index
    %get3A_0 = arith.constant 0 : index
    %get3A_1 = vector.load %arg1[%get3A, %get3A_0] : memref<1000x128xf32, #tpu.memory_space<vmem>>, vector<1000x128xf32>
    %get3A_2 = arith.constant 0 : index
    %get3A_3 = arith.constant 0 : index
    %get3A_4 = vector.load %arg4[%get3A_2, %get3A_3] : memref<128x256xf32, #tpu.memory_space<vmem>>, vector<128x256xf32>
    %dot_general3A = arith.constant dense<0.000000e+00> : vector<1000x256xf32>
    %dot_general3A_5 = tpu.matmul %get3A_1, %get3A_4, %dot_general3A {dimension_numbers = #tpu.dot_dimension_numbers<[1], [0], [0], [1], [0, 0, 1, 1], [], []>, transpose_lhs_hint = false} : vector<1000x128xf32>, vector<128x256xf32>, vector<1000x256xf32> -> vector<1000x256xf32>
    %get3A_6 = arith.constant 0 : index
    %get3A_7 = arith.constant 0 : index
    %get3A_8 = vector.load %arg2[%get3A_6, %get3A_7] : memref<1000x128xf32, #tpu.memory_space<vmem>>, vector<1000x128xf32>
    %get3A_9 = arith.constant 0 : index
    %get3A_10 = arith.constant 0 : index
    %get3A_11 = vector.load %arg5[%get3A_9, %get3A_10] : memref<128x256xf32, #tpu.memory_space<vmem>>, vector<128x256xf32>
    %dot_general3A_12 = arith.constant dense<0.000000e+00> : vector<1000x256xf32>
    %dot_general3A_13 = tpu.matmul %get3A_8, %get3A_11, %dot_general3A_12 {dimension_numbers = #tpu.dot_dimension_numbers<[1], [0], [0], [1], [0, 0, 1, 1], [], []>, transpose_lhs_hint = false} : vector<1000x128xf32>, vector<128x256xf32>, vector<1000x256xf32> -> vector<1000x256xf32>
    %add3A = arith.addf %dot_general3A_5, %dot_general3A_13 : vector<1000x256xf32>
    %get3A_14 = arith.constant 0 : index
    %get3A_15 = arith.constant 0 : index
    %get3A_16 = vector.load %arg3[%get3A_14, %get3A_15] : memref<1000x32xf32, #tpu.memory_space<vmem>>, vector<1000x32xf32>
    %reduce_sum3A = arith.constant dense<0.000000e+00> : vector<1000xf32>
    %reduce_sum3A_17 = vector.multi_reduction <add>, %get3A_16, %reduce_sum3A [1] : vector<1000x32xf32> to vector<1000xf32>
    %broadcast_in_dim3A = vector.shape_cast %reduce_sum3A_17 : vector<1000xf32> to vector<1000x1xf32>
    %max3A = arith.constant 1.000000e+00 : f32
    %max3A_18 = vector.broadcast %max3A : f32 to vector<1000x1xf32>
    %max3A_19 = arith.maximumf %broadcast_in_dim3A, %max3A_18 : vector<1000x1xf32>
    %div3A = vector.broadcast %max3A_19 : vector<1000x1xf32> to vector<1000x256xf32>
    %div3A_20 = arith.divf %add3A, %div3A : vector<1000x256xf32>
    %get3A_21 = arith.constant 0 : index
    %get3A_22 = arith.constant 0 : index
    %get3A_23 = vector.load %arg6[%get3A_21, %get3A_22] : memref<1x256xf32, #tpu.memory_space<vmem>>, vector<1x256xf32>
    %add3A_24 = vector.broadcast %get3A_23 : vector<1x256xf32> to vector<1000x256xf32>
    %add3A_25 = arith.addf %div3A_20, %add3A_24 : vector<1000x256xf32>
    %swap3A = arith.constant 0 : index
    %swap3A_26 = arith.constant 0 : index
    %swap3A_27 = vector.load %arg7[%swap3A, %swap3A_26] : memref<1000x256xf32, #tpu.memory_space<vmem>>, vector<1000x256xf32>
    tpu.vector_store %arg7[%swap3A, %swap3A_26], %add3A_25 {strides = array<i32>} : memref<1000x256xf32, #tpu.memory_space<vmem>>, vector<1000x256xf32>,
    return
  }
  func.func @transform_0(%arg0: i32) -> (i32, i32) {
    %c0_i32 = arith.constant 0 : i32
    %c0_i32_0 = arith.constant 0 : i32
    return %arg0, %c0_i32 : i32, i32
  }
  func.func @transform_1(%arg0: i32) -> (i32, i32) {
    %c0_i32 = arith.constant 0 : i32
    %c0_i32_0 = arith.constant 0 : i32
    return %arg0, %c0_i32 : i32, i32
  }
  func.func @transform_2(%arg0: i32) -> (i32, i32) {
    %c0_i32 = arith.constant 0 : i32
    %c0_i32_0 = arith.constant 0 : i32
    return %arg0, %c0_i32 : i32, i32
  }
  func.func @transform_3(%arg0: i32) -> (i32, i32) {
    %c0_i32 = arith.constant 0 : i32
    %c0_i32_0 = arith.constant 0 : i32
    %c0_i32_1 = arith.constant 0 : i32
    return %c0_i32, %c0_i32_0 : i32, i32
  }
  func.func @transform_4(%arg0: i32) -> (i32, i32) {
    %c0_i32 = arith.constant 0 : i32
    %c0_i32_0 = arith.constant 0 : i32
    %c0_i32_1 = arith.constant 0 : i32
    return %c0_i32, %c0_i32_0 : i32, i32
  }
  func.func @transform_5(%arg0: i32) -> (i32, i32) {
    %c0_i32 = arith.constant 0 : i32
    %c0_i32_0 = arith.constant 0 : i32
    %c0_i32_1 = arith.constant 0 : i32
    return %c0_i32, %c0_i32_0 : i32, i32
  }
  func.func @transform_6(%arg0: i32) -> (i32, i32) {
    %c0_i32 = arith.constant 0 : i32
    %c0_i32_0 = arith.constant 0 : i32
    return %arg0, %c0_i32 : i32, i32
  }
}

</mosaic_0001>

<sc_bundles>
// kernel: kernel.4.cloned.1.call-start
scs
__scs_entry_jumppad:
0x0: {  	(pc) =	sbr.rel $0x88, $3  }
0x1: {  	(tag) =	ssettag $0x0;
	lr =	simm.s32 $0x1  }
0x2: {  	[smem:$0x3F9D] =	sst lr;
	_ =	strace $0xD0000000  }
0x3: {  	_ = 	snop  }
0x4: {  	_ = 	snop  }
0x5: {  	_ = 	snop  }
0x6: {  	_ = 	snop  }
0x7: {  	_ = 	snop  }
__scs_overlays_trampoline_lowered:
0x8: {  	[smem:$0x3FAC] =	sst s0  }
0x9: {  	[smem:$0x3FAD] =	sst s1  }
0xa: {  	[smem:$0x3FAE] =	sst s2  }
0xb: {  	[smem:$0x3FAF] =	sst s3  }
0xc: {  	[smem:$0x3FB0] =	sst s4  }
0xd: {  	[smem:$0x3FB1] =	sst s5  }
0xe: {  	[smem:$0x3FB2] =	sst s6  }
0xf: {  	[smem:$0x3FB3] =	sst s7  }
0x10: {  	[smem:$0x3FB4] =	sst s8  }
0x11: {  	[smem:$0x3FB5] =	sst s9;
	s0 =	simm.s32 @!p0 $0x0  }
0x12: {  	s1 =	sld [smem:$0x3F9B];
	s0 =	simm.s32 @p0 $0x1  }
0x13: {  	[smem:$0x3FB6] =	sst s0;
	s0 =	simm.s32 @!p1 $0x0  }
0x14: {  	s2 =	sld [smem:$0x3F9A];
	s0 =	simm.s32 @p1 $0x1  }
0x15: {  	[smem:$0x3FB7] =	sst s0;
	s0 =	simm.s32 @!p2 $0x0  }
0x16: {  	s3 =	sld [smem:$0x3FDB];
	s0 =	simm.s32 @p2 $0x1  }
0x17: {  	s4 =	simm.s32 $0x1BF5;
	[smem:$0x3FB9] =	sst s0  }
0x18: {  	s0 =	sld [smem:$0x3F9C];
	_ =	swait.ge [sflag:s4], $0x0  }
0x19: {  	s7 =	sld [smem:$0x3F9D]  }
0x1a: {  	s8 =	sadd.s32 $0xFFFFE003, lr  }
0x1b: {  	s9 =	sadd.s32 $0xFFFFFEF7, lr;
	s5 =	simm.s32 $0xFFFFFFFF;
	p2 =	slt.u32 s8, $0xFFFFF086  }
0x1c: {  	p1 =	slt.u32 s9, $0xF7A;
	s5 =	simm.s32 @!p2 $0x0  }
0x1d: {  	s5 =	simm.s32 @p1 $0x1;
	p0 =	seq.s32 s7, s2  }
0x1e: {  	s7 =	smul.u32 @!p0 $0xF7A, s2;
	p2 =	seq.s32 @!p0 s5, $0x0  }
0x1f: {  	s9 =	smul.u32 $0xF7A, s1;
	s8 =	simm.s32 @!p0 $0x1BF5;
	p2 =	por !p2, p0  }
0x20: {  	[sflag:s8] =	ssyncset.s32 @!p0 $0xFFFFF086;
	s6 =	sadd.s32 @!p0 s3, s7;
	s7 =	simm.s32 @!p0 $0x108  }
0x21: {  	s3 =	sadd.s32 s3, s9;
	s6 =	sadd.s32 @!p0 $0x88, s6;
	s7 =	simm.s32 @p2 $0x1082  }
0x22: {  	[simem:s7], [sflag:s8] =	dma.local @!p0 [hbm:s6], $0xF7A  }
0x23: {  	s9 =	sor.u32 $0xD0000000, s2;
	s6 =	simm.s32 $0x108;
	_ =	swait.ge @!p0 [sflag:s8], $0x0  }
0x24: {  	s3 =	sadd.s32 $0x88, s3;
	s6 =	simm.s32 @!p1 $0x1082;
	[sflag:s4] =	ssyncset.s32 $0xFFFFF086  }
0x25: {  	[simem:s6], [sflag:s4] =	dma.local [hbm:s3], $0xF7A  }
0x26: {  	[smem:$0x3F9D] =	sst s1;
	(tag) =	ssettag s2;
	_ =	strace s9  }
0x27: {  	s1 =	sld [smem:$0x3FAD]  }
0x28: {  	s2 =	sld [smem:$0x3FAE]  }
0x29: {  	s4 =	sld [smem:$0x3FB0]  }
0x2a: {  	p0 =	seq.s32 s5, $0x0;
	s5 =	sld [smem:$0x3FB1]  }
0x2b: {  	s6 =	sld [smem:$0x3FB2]  }
0x2c: {  	s7 =	sld [smem:$0x3FB3]  }
0x2d: {  	s3 =	simm.s32 $0x108;
	s8 =	sld [smem:$0x3FB4]  }
0x2e: {  	s3 =	simm.s32 @!p0 $0x1082;
	s9 =	sld [smem:$0x3FB5]  }
0x2f: {  	lr =	sadd.s32 s0, s3;
	s0 =	sld [smem:$0x3FAC]  }
0x30: {  	s3 =	sld [smem:$0x3FAF]  }
0x31: {  	[smem:$0x3FB8] =	sst s10  }
0x32: {  	s10 =	sld [smem:$0x3FB6];
	_ =	sdelay $0x3  }
0x33: {  	p0 =	seq.s32 s10, $0x1;
	s10 =	sld [smem:$0x3FB8];
	_ =	sdelay $0x3  }
0x34: {  	[smem:$0x3FB8] =	sst s10  }
0x35: {  	s10 =	sld [smem:$0x3FB7];
	_ =	sdelay $0x3  }
0x36: {  	p1 =	seq.s32 s10, $0x1;
	s10 =	sld [smem:$0x3FB8];
	_ =	sdelay $0x3  }
0x37: {  	[smem:$0x3FB8] =	sst s10  }
0x38: {  	s10 =	sld [smem:$0x3FB9]  }
0x39: {  	_ = 	snop;
	(pc) =	sbr.ind lr, $3  }
0x3a: {  	_ = 	snop  }
0x3b: {  	_ = 	snop  }
0x3c: {  	p2 =	seq.s32 s10, $0x1;
	s10 =	sld [smem:$0x3FB8]  }
0x3d: {  	_ =	shalt  }
0x3e: {  	_ =	shalt  }
0x3f: {  	_ =	shalt  }
0x40: {  	_ =	shalt  }
0x41: {  	_ =	shalt  }
0x42: {  	_ =	shalt  }
0x43: {  	_ =	shalt  }
0x44: {  	_ =	shalt  }
0x45: {  	_ =	shalt  }
0x46: {  	_ =	shalt  }
0x47: {  	_ =	shalt  }
0x48: {  	_ =	shalt  }
0x49: {  	_ =	shalt  }
0x4a: {  	_ =	shalt  }
0x4b: {  	_ =	shalt  }
0x4c: {  	_ =	shalt  }
0x4d: {  	_ =	shalt  }
0x4e: {  	_ =	shalt  }
0x4f: {  	_ =	shalt  }
0x50: {  	_ =	shalt  }
0x51: {  	_ =	shalt  }
0x52: {  	_ =	shalt  }
0x53: {  	_ =	shalt  }
0x54: {  	_ =	shalt  }
0x55: {  	_ =	shalt  }
0x56: {  	_ =	shalt  }
0x57: {  	_ =	shalt  }
0x58: {  	_ =	shalt  }
0x59: {  	_ =	shalt  }
0x5a: {  	_ =	shalt  }
0x5b: {  	_ =	shalt  }
0x5c: {  	_ =	shalt  }
0x5d: {  	_ =	shalt  }
0x5e: {  	_ =	shalt  }
0x5f: {  	_ =	shalt  }
0x60: {  	_ =	shalt  }
0x61: {  	_ =	shalt  }
0x62: {  	_ =	shalt  }
0x63: {  	_ =	shalt  }
0x64: {  	_ =	shalt  }
0x65: {  	_ =	shalt  }
0x66: {  	_ =	shalt  }
0x67: {  	_ =	shalt  }
0x68: {  	_ =	shalt  }
0x69: {  	_ =	shalt  }
0x6a: {  	_ =	shalt  }
0x6b: {  	_ =	shalt  }
0x6c: {  	_ =	shalt  }
0x6d: {  	_ =	shalt  }
0x6e: {  	_ =	shalt  }
0x6f: {  	_ =	shalt  }
0x70: {  	_ =	shalt  }
0x71: {  	_ =	shalt  }
0x72: {  	_ =	shalt  }
0x73: {  	_ =	shalt  }
0x74: {  	_ =	shalt  }
0x75: {  	_ =	shalt  }
0x76: {  	_ =	shalt  }
0x77: {  	_ =	shalt  }
0x78: {  	_ =	shalt  }
0x79: {  	_ =	shalt  }
0x7a: {  	_ =	shalt  }
0x7b: {  	_ =	shalt  }
0x7c: {  	_ =	shalt  }
0x7d: {  	_ =	shalt  }
0x7e: {  	_ =	shalt  }
0x7f: {  	_ =	shalt  }
0x80: {  	_ =	shalt  }
0x81: {  	_ =	shalt  }
0x82: {  	_ =	shalt  }
0x83: {  	_ =	shalt  }
0x84: {  	_ =	shalt  }
0x85: {  	_ =	shalt  }
0x86: {  	_ =	shalt  }
0x87: {  	_ =	shalt  }
.Lfunc_end0:
.L_simem_size_0:
called_computation_lowered:
.L_overlay_start_0:
0x88: {  	s2 =	sld [smem:$0x3FD9]  }
0x89: {  	s3 =	sld [smem:$0x3FFE];
	_ =	sdelay $0x1  }
0x8a: {  	s1 =	srdreg.scid  }
0x8b: {  	s0 =	sand.u32 $0x1, s1  }
0x8c: {  	s17 =	sshll.u32 s0, $0xA;
	s2 =	sadd.s32 s3, s2  }
0x8d: {  	s2 =	sadd.s32 s2, s17  }
0x8e: {  	[smem:$0x3FC4] =	sst s2  }
0x8f: {  	_ = 	snop  }
0x90: {  	s2 =	sld [smem:$0x3FD0];
	(tm) =	ssettm $0x1  }
0x91: {  	s18 =	sld [smem:$0x3FFB];
	_ =	sdelay $0x3  }
0x92: {  	_ =	strace s18  }
0x93: {  	s3 =	sld [smem:$0x3FFC];
	_ =	sdelay $0x3  }
0x94: {  	_ =	strace s3  }
0x95: {  	s3 =	sld [smem:$0x3FFD];
	_ =	sdelay $0x3  }
0x96: {  	_ =	strace s3  }
0x97: {  	_ =	strace $0x8FFFFFFF  }
0x98: {  	s19 =	sld [smem:$0x3FDB];
	_ =	sdelay $0x1  }
0x99: {  	s4 =	simm.s32 $_scs_section_size  }
0x9a: {  	s5 =	simm.s32 $_size__tile_overlayer_lowered;
	s6 =	simm.s32 $_tile_overlayer_lowered  }
0x9b: {  	s22 =	simm.s32 $0x1BFF;
	s21 =	sshll.u32 s6, $0x1;
	s3 =	sadd.s32 s4, s19  }
0x9c: {  	s7 =	simm.s32 $0x0;
	s20 =	sshll.u32 s5, $0x1;
	s5 =	sadd.s32 s21, s3  }
0x9d: {  	[timem:s7], [sflag:s22] =	dma.local [hbm:s5], s20  }
0x9e: {  	_ =	swait.ge [sflag:s22], s20  }
0x9f: {  	s4 =	ssub.s32 $0x0, s20;
	[sflag:s22] =	ssyncset.done $0x0  }
0xa0: {  	[sflag:s22] =	ssyncadd.s32 s4;
	_ =	sdelay $0x1  }
0xa1: {  	s23 =	simm.s32 $0x1B8B  }
0xa2: {  	_ =	swait.ge [sflag:s23], $0x1  }
0xa3: {  	[sflag:s23] =	ssyncset.done $0x0  }
0xa4: {  	s25 =	simm.s32 $0x1B8E;
	s24 =	sld [smem:$0x3FFE];
	[sflag:s23] =	ssyncadd.s32 $0xFFFFFFFF  }
0xa5: {  	s26 =	simm.s32 $execute0_lowered;
	[smem:$0x3FD2] =	sst s25  }
0xa6: {  	s5 =	sshll.u32 s26, $0x1;
	_ =	strace $0x80000046;
	[dreg:$0x1] =	wrdreg $0xFFFFFFFF  }
0xa7: {  	s28 =	simm.s32 $_size_execute0_lowered;
	s3 =	sadd.s32 s3, s5;
	[dreg:$0x0] =	wrdreg $0x0  }
0xa8: {  	s5 =	sshll.u32 s28, $0x1;
	[dreg:$0x2] =	wrdreg s3  }
0xa9: {  	[dreg:$0x3] =	wrdreg s5  }
0xaa: {  	[dreg:$0x4] =	wrdreg $0xC0  }
0xab: {  	_ =	task [dreg:s7], $0x5FFFF  }
0xac: {  	[dreg:$0x1] =	wrdreg $0xFFFFFFFF  }
0xad: {  	[dreg:$0x0] =	wrdreg $0x60  }
0xae: {  	[dreg:$0x2] =	wrdreg s24  }
0xaf: {  	[dreg:$0x3] =	wrdreg s2  }
0xb0: {  	[dreg:$0x4] =	wrdreg $0xB7000  }
0xb1: {  	[dreg:$0x5] =	wrdreg $0x9  }
0xb2: {  	_ =	task.clear_ibuf [dreg:s7], $0x6FFFF;
	_ =	strace $0x90000046  }
0xb3: {  	s29 =	simm.s32 $0x9;
	_ =	strace $0x80000048  }
0xb4: {  	_ =	swait.ge [sflag:s29], $0x1  }
0xb5: {  	[sflag:s29] =	ssyncadd.s32 $0xFFFFFFFF  }
0xb6: {  	_ =	strace $0x90000048  }
0xb7: {  	_ =	sfence  }
0xb8: {  	s30 =	sld [smem:$0x0];
	_ =	sdelay $0x2  }
0xb9: {  	s31 =	sshll.u32 s1, $0xD;
	s1 =	sshrl.u32 s1, $0x2  }
0xba: {  	s3 =	sand.u32 $0x4000, s31;
	s1 =	sadd.s32 s1, s30  }
0xbb: {  	s0 =	sor.u32 s3, s0;
	s1 =	sshll.u32 s1, $0x11  }
0xbc: {  	s0 =	sor.u32 s1, s0  }
0xbd: {  	s0 =	sadd.s32 $0x8F2B, s0  }
0xbe: {  	[sflag:s0] =	ssyncadd.remote.s32 $0x1  }
0xbf: {  	_ =	sfence.sel $0xFFFF  }
0xc0: {  	[dreg:$0x0] =	wrdreg $0xFFFFFFFF;
	(pc) =	sbr.abs _section_cstart, $3  }
0xc1: {  	[dreg:$0x1] =	wrdreg $0xFFFFFFFF  }
0xc2: {  	_ =	task.clear_ibuf [dreg:s7], $0x2FFFF;
	_ =	strace $0x9FFFFFFF  }
0xc3: {  	(tm) =	ssettm $0x7FFFFFFF  }
tec
execute0_lowered:
.L_overlay_start_1:
0x0: {  	(tag) =	ssettag $0x1  }
0x1: {  	s0 =	rddreg [dreg:$0x0]  }
0x2: {  	s2 =	rddreg [dreg:$0x2];
	s3 =	srdreg.scid  }
0x3: {  	s4 =	simm.s32 $0x0;
	s20 =	simm.s32 $0x2;
	s21 =	simm.s32 $0x2780  }
0x4: {  	s24 =	simm.s32 $0x80;
	s25 =	simm.s32 $0x4F00;
	s26 =	simm.s32 $0x1  }
0x5: {  	s28 =	simm.s32 $0x8F00;
	s29 =	simm.s32 $0x0;
	s22 =	sand.u32 $0x1, s3  }
0x6: {  	[smem:$0x7FF] =	sst s4;
	s3 =	stileid.u32;
	s6 =	sadd.s32 $0xC00, s0  }
0x7: {  	s23 =	sadd.s32 $0x12C000, s2;
	s15 =	sadd.s32 $0x26400, s0;
	s7 =	smul.u32 $0x4F0, s3  }
0x8: {  	s17 =	sadd.s32 $0x4D600, s0;
	s5 =	sshll.u32 s22, $0x4;
	s13 =	smul.u32 $0x14000, s3  }
0x9: {  	_ =	strace $0x80000047;
	s10 =	ssub.s32 $0x2, s22;
	s12 =	smul.u32 $0x28, s22  }
0xa: {  	p0 =	seq.s32 s3, $0xF;
	p1 =	sne.s32 s22, $0x0;
	s8 =	sor.u32 s3, s5  }
0xb: {  	s5 =	sadd.s32 $0x27E00, s0;
	s31 =	sshrl.u32 s10, $0x1;
	s8 =	smul.u32 $0x500, s8  }
0xc: {  	s9 =	sadd.s32 s7, s0;
	s19 =	ssub.s32 s10, s31;
	s10 =	smul.u32 $0x27, s22  }
.Ltmp0:
0xd: {  	s7 =	sadd.s32 $0x63000, s0;
	s11 =	sshrl.u32 s13, $0x3;
	(pc) =	sbr.rel .LBB2_1-.Ltmp0, $4  }
0xe: {  	s12 =	sadd.s32 $0x27, s12;
	s13 =	sadd.s32 s13, s2;
	s22 =	sshrl.u32 @p0 s23, $0x3  }
0xf: {  	s14 =	sadd.s32 s6, s11;
	s16 =	sadd.s32 s5, s11;
	s19 =	smax.u32 s19, $0x1  }
0x10: {  	s18 =	sadd.s32 s8, s0;
	s8 =	sadd.s32 $0x54000, s9;
	s0 =	sshll.u32 @!p0 s3, $0x6  }
0x11: {  	v0 =	vimm.f32 $0.0e+00;
	s9 =	sadd.s32 $0x4F000, s9;
	s18 =	sadd.s32 $0x59000, s18;
	s23 =	sor.u32 @!p0 $0x1C02, s0  }
.LBB2_10:
0x12: {  	[bflag:$0x0] =	sbarrier.arrive $0xFFFF;
	s0 =	sadd.s32 s0, s11  }
0x13: {  	[hbm4b:s18+s4] =	stream.linear.scatter [tilespmem:s28], [sflag:$0x2], $0x2800, $0x38;
	[tilespmem:$0x1F700] =	vst v63  }
0x14: {  	s1 =	sshll.u32 s3, $0x6;
	s29 =	sadd.s32 $0x1, s29;
	_ =	swait.ge [sflag:s20], $0x2800  }
0x15: {  	s30 =	sshrl.u32 s13, $0x3;
	p2 =	sne.s32 s29, s19;
	[sflag:s20] =	ssyncset.done $0x0  }
.Ltmp1:
0x16: {  	s1 =	sor.u32 $0x1C02, s1;
	[sflag:s20] =	ssyncadd.s32 $0xFFFFD800;
	(pc) =	sbr.rel @!p2 .LBB2_11-.Ltmp1, $4  }
0x17: {  	[hbm:s0], [sflag:s1] =	dma.local [spmem:s30], $0x2800  }
0x18: {  	_ =	swait.ge [sflag:s20], $0x2800  }
0x19: {  	[sflag:s20] =	ssyncset.done $0x0  }
0x1a: {  	[sflag:s20] =	ssyncadd.s32 $0xFFFFD800  }
.LBB2_1:
0x1b: {  	[tilespmem:s4], [sflag:$0x2] =	stream.linear.gather [hbm4b:s8+s4], $0x2780, $0x38;
	[tilespmem:$0x1F700] =	vst v63  }
0x1c: {  	_ =	swait.ge [sflag:s20], $0x2780  }
0x1d: {  	[sflag:s20] =	ssyncset.done $0x0  }
0x1e: {  	[sflag:s20] =	ssyncadd.s32 $0xFFFFD880  }
0x1f: {  	[tilespmem:s21], [sflag:$0x2] =	stream.linear.gather [hbm4b:s9+s4], $0x2780, $0x38;
	[tilespmem:$0x1F700] =	vst v63  }
0x20: {  	_ =	swait.ge [sflag:s20], $0x2780  }
0x21: {  	[sflag:s20] =	ssyncset.done $0x0  }
0x22: {  	s0 =	simm.s32 $0x40;
	s30 =	simm.s32 $0x0;
	[sflag:s20] =	ssyncadd.s32 $0xFFFFD880  }
.LBB2_2:
0x23: {  	p2 =	sne.s32 s0, $0x9FC0;
	[tilespmem:s30+$0x8F00] =	vst v0;
	s30 =	smov.u32 s0;
	s0 =	sadd.s32 $0x40, s0  }
.Ltmp2:
0x24: {  	(pc) =	sbr.rel @p2 .LBB2_2-.Ltmp2, $2  }
0x25: {  	_ =	sdelay $0x2  }
0x26: {  	s30 =	sshra.s32 s30, $0x2  }
.Ltmp3:
0x27: {  	(pc) =	sbr.rel @p1 .LBB2_7-.Ltmp3, $2  }
0x28: {  	_ =	sdelay $0x2  }
0x29: {  	[tilespmem:s30+$0x8F00] =	vst v0;
	s0 =	sshrl.u32 @!p0 s13, $0x3  }
0x2a: {  	s30 =	simm.s32 @p0 $0x1FC2  }
0x2b: {  	[spmem:s22], [sflag:s30] =	dma.local @p0 [hbm:s17], $0x1900  }
0x2c: {  	s30 =	simm.s32 @p0 $0x2  }
0x2d: {  	_ =	swait.ge @p0 [sflag:s30], $0x1900  }
0x2e: {  	[sflag:s30] =	ssyncset.done @p0 $0x0  }
0x2f: {  	[sflag:s30] =	ssyncadd.s32 @p0 $0xFFFFE700  }
0x30: {  	[spmem:s0], [sflag:s23] =	dma.local @!p0 [hbm:s16], $0x2800  }
0x31: {  	s0 =	simm.s32 @!p0 $0x2  }
0x32: {  	_ =	swait.ge @!p0 [sflag:s0], $0x2800  }
0x33: {  	[sflag:s0] =	ssyncset.done @!p0 $0x0  }
0x34: {  	s31 =	simm.s32 $0x2780;
	[sflag:s0] =	ssyncadd.s32 @!p0 $0xFFFFD800  }
0x35: {  	s30 =	simm.s32 $0x0;
	s0 =	simm.s32 $0x0;
	[bflag:$0x0] =	sbarrier.arrive $0xFFFF  }
.LBB2_5:
0x36: {  	[tilespmem:s25], [sflag:$0x1] =	stream.indirect.gather [hbm4b:s5+s24], $0x80, s30, s24, $0xb8;
	[tilespmem:$0x1F700] =	vst v63  }
0x37: {  	p2 =	sge.u32 s0, s12  }
0x38: {  	v1 =	vld @!p2 [tilespmem:s31+$0x0];
	_ =	sdelay $0x6  }
0x39: {  	v2 =	vimm.f32 @!p2 $1.000000000e+00;
	s1 =	simm.s32 @!p2 $0x8F00  }
0x3a: {  	[tilespmem:v1+s1+$0x0] =	vst.idx.add.f32.msk @!p2 $0xffff, v2  }
0x3b: {  	v1 =	vld @!p2 [tilespmem:s31+$0x10];
	_ =	sdelay $0x7  }
0x3c: {  	[tilespmem:v1+s1+$0x0] =	vst.idx.add.f32.msk @!p2 $0xffff, v2  }
0x3d: {  	v1 =	vld @!p2 [tilespmem:s31+$0x20];
	_ =	sdelay $0x7  }
0x3e: {  	[tilespmem:v1+s1+$0x0] =	vst.idx.add.f32.msk @!p2 $0xffff, v2  }
0x3f: {  	v1 =	vld @!p2 [tilespmem:s31+$0x30];
	_ =	sdelay $0x7  }
0x40: {  	[tilespmem:v1+s1+$0x0] =	vst.idx.add.f32.msk @!p2 $0xffff, v2  }
0x41: {  	v1 =	vld @!p2 [tilespmem:s31+$0x40];
	_ =	sdelay $0x7  }
0x42: {  	[tilespmem:v1+s1+$0x0] =	vst.idx.add.f32.msk @!p2 $0xffff, v2  }
0x43: {  	v1 =	vld @!p2 [tilespmem:s31+$0x50];
	_ =	sdelay $0x7  }
0x44: {  	[tilespmem:v1+s1+$0x0] =	vst.idx.add.f32.msk @!p2 $0xffff, v2  }
0x45: {  	v1 =	vld @!p2 [tilespmem:s31+$0x60];
	_ =	sdelay $0x7  }
0x46: {  	[tilespmem:v1+s1+$0x0] =	vst.idx.add.f32.msk @!p2 $0xffff, v2  }
0x47: {  	v1 =	vld @!p2 [tilespmem:s31+$0x70];
	_ =	sdelay $0x7  }
0x48: {  	[tilespmem:v1+s1+$0x0] =	vst.idx.add.f32.msk @!p2 $0xffff, v2  }
0x49: {  	s0 =	sadd.s32 $0x1, s0;
	_ =	swait.ge [sflag:s26], $0x4000  }
0x4a: {  	p2 =	seq.s32 s0, $0x4F;
	[sflag:s26] =	ssyncset.done $0x0  }
.Ltmp4:
0x4b: {  	[sflag:s26] =	ssyncadd.s32 $0xFFFFC000;
	(pc) =	sbr.rel @!p2 .LBB2_5-.Ltmp4, $4  }
0x4c: {  	[spmem:s2] =	stream.indirect.scatter.add.f32 [tilespmem:s25], [sflag:$0x2], $0x80, s31, s24, $0xb8;
	[tilespmem:$0x1F700] =	vst v63  }
0x4d: {  	_ =	swait.ge [sflag:s20], $0x4000  }
0x4e: {  	[sflag:s20] =	ssyncset.done $0x0  }
0x4f: {  	s30 =	sadd.s32 $0x80, s30;
	s31 =	sadd.s32 $0x80, s31;
	[sflag:s20] =	ssyncadd.s32 $0xFFFFC000  }
.Ltmp5:
0x50: {  	(pc) =	sbr.rel .LBB2_10-.Ltmp5, $2  }
0x51: {  	_ =	sdelay $0x2  }
0x52: {  	s0 =	rddreg [dreg:$0x1]  }
.LBB2_7:
0x53: {  	s30 =	simm.s32 @p0 $0x1FC2  }
0x54: {  	[spmem:s22], [sflag:s30] =	dma.local @p0 [hbm:s15], $0x1900  }
0x55: {  	s30 =	simm.s32 @p0 $0x2  }
0x56: {  	_ =	swait.ge @p0 [sflag:s30], $0x1900  }
0x57: {  	[sflag:s30] =	ssyncset.done @p0 $0x0  }
0x58: {  	[sflag:s30] =	ssyncadd.s32 @p0 $0xFFFFE700  }
0x59: {  	[spmem:s0], [sflag:s23] =	dma.local @!p0 [hbm:s14], $0x2800  }
0x5a: {  	s0 =	simm.s32 @!p0 $0x2  }
0x5b: {  	_ =	swait.ge @!p0 [sflag:s0], $0x2800  }
0x5c: {  	[sflag:s0] =	ssyncset.done @!p0 $0x0  }
0x5d: {  	s31 =	simm.s32 $0x2780;
	[sflag:s0] =	ssyncadd.s32 @!p0 $0xFFFFD800  }
0x5e: {  	s30 =	simm.s32 $0x0;
	s0 =	simm.s32 $0x0;
	[bflag:$0x0] =	sbarrier.arrive $0xFFFF  }
.LBB2_8:
0x5f: {  	[tilespmem:s25], [sflag:$0x1] =	stream.indirect.gather [hbm4b:s6+s24], $0x80, s30, s24, $0xb8;
	[tilespmem:$0x1F700] =	vst v63  }
0x60: {  	p2 =	slt.u32 s0, s10  }
0x61: {  	v1 =	vld @!p2 [tilespmem:s31+$0x0];
	_ =	sdelay $0x6  }
0x62: {  	v2 =	vimm.f32 @!p2 $1.000000000e+00;
	s1 =	simm.s32 @!p2 $0x8F00  }
0x63: {  	[tilespmem:v1+s1+$0x0] =	vst.idx.add.f32.msk @!p2 $0xffff, v2  }
0x64: {  	v1 =	vld @!p2 [tilespmem:s31+$0x10];
	_ =	sdelay $0x7  }
0x65: {  	[tilespmem:v1+s1+$0x0] =	vst.idx.add.f32.msk @!p2 $0xffff, v2  }
0x66: {  	v1 =	vld @!p2 [tilespmem:s31+$0x20];
	_ =	sdelay $0x7  }
0x67: {  	[tilespmem:v1+s1+$0x0] =	vst.idx.add.f32.msk @!p2 $0xffff, v2  }
0x68: {  	v1 =	vld @!p2 [tilespmem:s31+$0x30];
	_ =	sdelay $0x7  }
0x69: {  	[tilespmem:v1+s1+$0x0] =	vst.idx.add.f32.msk @!p2 $0xffff, v2  }
0x6a: {  	v1 =	vld @!p2 [tilespmem:s31+$0x40];
	_ =	sdelay $0x7  }
0x6b: {  	[tilespmem:v1+s1+$0x0] =	vst.idx.add.f32.msk @!p2 $0xffff, v2  }
0x6c: {  	v1 =	vld @!p2 [tilespmem:s31+$0x50];
	_ =	sdelay $0x7  }
0x6d: {  	[tilespmem:v1+s1+$0x0] =	vst.idx.add.f32.msk @!p2 $0xffff, v2  }
0x6e: {  	v1 =	vld @!p2 [tilespmem:s31+$0x60];
	_ =	sdelay $0x7  }
0x6f: {  	[tilespmem:v1+s1+$0x0] =	vst.idx.add.f32.msk @!p2 $0xffff, v2  }
0x70: {  	v1 =	vld @!p2 [tilespmem:s31+$0x70];
	_ =	sdelay $0x7  }
0x71: {  	[tilespmem:v1+s1+$0x0] =	vst.idx.add.f32.msk @!p2 $0xffff, v2  }
0x72: {  	s0 =	sadd.s32 $0x1, s0;
	_ =	swait.ge [sflag:s26], $0x4000  }
0x73: {  	p2 =	sne.s32 s0, $0x4F;
	[sflag:s26] =	ssyncset.done $0x0  }
.Ltmp6:
0x74: {  	[sflag:s26] =	ssyncadd.s32 $0xFFFFC000;
	(pc) =	sbr.rel @p2 .LBB2_8-.Ltmp6, $4  }
0x75: {  	[spmem:s2] =	stream.indirect.scatter.add.f32 [tilespmem:s25], [sflag:$0x2], $0x80, s31, s24, $0xb8;
	[tilespmem:$0x1F700] =	vst v63  }
0x76: {  	_ =	swait.ge [sflag:s20], $0x4000  }
0x77: {  	[sflag:s20] =	ssyncset.done $0x0  }
0x78: {  	s30 =	sadd.s32 $0x80, s30;
	s31 =	sadd.s32 $0x80, s31;
	[sflag:s20] =	ssyncadd.s32 $0xFFFFC000  }
.Ltmp7:
0x79: {  	(pc) =	sbr.rel .LBB2_10-.Ltmp7, $2  }
0x7a: {  	_ =	sdelay $0x2  }
0x7b: {  	s0 =	smov.u32 s7  }
.LBB2_11:
0x7c: {  	_ =	sfence.sel $0x180000  }
0x7d: {  	[bflag:$0x0] =	sbarrier.arrive $0xFFFF  }
0x7e: {  	_ =	strace $0x90000047  }
0x7f: {  	[bflag:$0x2] =	sbarrier.arrive $0xFFFF  }
0x80: {  	p0 =	sne.s32 s3, $0x0;
	s0 =	rddreg [dreg:$0x3]  }
0x81: {  	s0 =	sadd.s32 @!p0 $0x100000, s0  }
0x82: {  	[sflag:s0] =	ssyncadd.tile.s32 @!p0 $0x1;
	_ =	shalt  }
.Lfunc_end2:
_tile_overlayer_lowered:
.L_overlay_start_2:
0x83: {  	(tag) =	ssettag $0x2  }
0x84: {  	s0 =	rddreg [dreg:$0x0];
	s2 =	stileid.u32  }
0x85: {  	s1 =	rddreg [dreg:$0x1];
	p0 =	sne.s32 s2, $0x0  }
0x86: {  	s3 =	rddreg [dreg:$0x2];
	[bflag:$0x3] =	sbarrier.arrive $0xFFFF;
	s2 =	simm.s32 @!p0 $0x1C02  }
0x87: {  	[timem:s3], [sflag:s2] =	dma.local @!p0 [hbm:s0], s1  }
0x88: {  	s0 =	simm.s32 @!p0 $0x2  }
0x89: {  	_ =	swait.ge @!p0 [sflag:s0], s1  }
0x8a: {  	s1 =	ssub.s32 @!p0 $0x0, s1;
	[sflag:s0] =	ssyncset.done @!p0 $0x0  }
0x8b: {  	[sflag:s0] =	ssyncadd.s32 @!p0 s1  }
0x8c: {  	[bflag:$0x3] =	sbarrier.arrive $0xFFFF  }
0x8d: {  	_ =	shalt  }

</sc_bundles>
